<compile_context>
chip_gen: v7x
topology: tpu7x:2x2x1
jax: 0.10.2.dev20260603
libtpu: 0.0.44.dev20260713+nightly
codegen_flags: <defaults>
</compile_context>

<pallas_src>
import jax
import jax.numpy as jnp
from jax import lax
from jax.experimental import pallas as pl
from jax.experimental.pallas import tpu as pltpu
from jax.experimental.pallas import tpu_sc as plsc

N = 10000
D = 128
E = 320000
NC = 2
NS = 16
CH = 128
KCH = 79
EPAD = NC * NS * KCH * CH
NACC = 10240
NHB = NACC + 8
RPT = NACC // NS

_mesh = plsc.VectorSubcoreMesh(core_axis_name="c", subcore_axis_name="s")


def _make_agg():
    scratch = [
        pltpu.VMEM((KCH, CH), jnp.int32),
        pltpu.VMEM((KCH, CH), jnp.int32),
        pltpu.VMEM((CH, D), jnp.float32),
        pltpu.VMEM_SHARED((NHB, D), jnp.float32),
        pltpu.SemaphoreType.DMA,
    ]

    def body(h_hbm, src_hbm, dst_hbm, agg_out,
             src_v, dst_v, rows_v, agg_sh, sem):
        c = lax.axis_index("c")
        s = lax.axis_index("s")

        def zf(i, carry):
            r = i // (D // 16)
            col = (i % (D // 16)) * 16
            rows_v[r, pl.ds(col, 16)] = jnp.zeros((16,), jnp.float32)
            return carry
        lax.fori_loop(0, CH * (D // 16), zf, 0)

        for off in range(0, RPT, CH):
            pltpu.sync_copy(rows_v, agg_sh.at[pl.ds(s * RPT + off, CH)])

        @pl.when(s == 0)
        def _zero_trash():
            pltpu.sync_copy(rows_v.at[pl.ds(0, 8)], agg_sh.at[pl.ds(NACC, 8)])

        pltpu.sync_copy(src_hbm.at[c, s], src_v)
        pltpu.sync_copy(dst_hbm.at[c, s], dst_v)
        plsc.subcore_barrier()

        def step(g, carry):
            pltpu.sync_copy(h_hbm.at[src_v.at[g]], rows_v)
            pltpu.sync_copy(rows_v, agg_sh.at[dst_v.at[g]], add=True)
            return carry
        lax.fori_loop(0, KCH, step, 0)
        plsc.subcore_barrier()

        pltpu.sync_copy(agg_sh.at[pl.ds(s * RPT, RPT)],
                        agg_out.at[c, pl.ds(s * RPT, RPT)])

    return pl.kernel(
        body,
        out_type=[jax.ShapeDtypeStruct((NC, NACC, D), jnp.float32)],
        mesh=_mesh, scratch_types=scratch)


def _make_cnt():
    scratch = [
        pltpu.VMEM((KCH, CH), jnp.int32),
        pltpu.VMEM((CH, D), jnp.float32),
        pltpu.VMEM_SHARED((NHB, D), jnp.float32),
        pltpu.SemaphoreType.DMA,
    ]

    def body(dst_hbm, cnt_out, dst_v, ones_v, cnt_sh, sem):
        c = lax.axis_index("c")
        s = lax.axis_index("s")

        def zf(i, carry):
            r = i // (D // 16)
            col = (i % (D // 16)) * 16
            ones_v[r, pl.ds(col, 16)] = jnp.zeros((16,), jnp.float32)
            return carry
        lax.fori_loop(0, CH * (D // 16), zf, 0)

        for off in range(0, RPT, CH):
            pltpu.sync_copy(ones_v, cnt_sh.at[pl.ds(s * RPT + off, CH)])

        @pl.when(s == 0)
        def _zero_trash():
            pltpu.sync_copy(ones_v.at[pl.ds(0, 8)], cnt_sh.at[pl.ds(NACC, 8)])

        def of(i, carry):
            r = i // (D // 16)
            col = (i % (D // 16)) * 16
            ones_v[r, pl.ds(col, 16)] = jnp.ones((16,), jnp.float32)
            return carry
        lax.fori_loop(0, CH * (D // 16), of, 0)

        pltpu.sync_copy(dst_hbm.at[c, s], dst_v)
        plsc.subcore_barrier()

        def step(g, carry):
            pltpu.sync_copy(ones_v, cnt_sh.at[dst_v.at[g]], add=True)
            return carry
        lax.fori_loop(0, KCH, step, 0)
        plsc.subcore_barrier()

        pltpu.sync_copy(cnt_sh.at[pl.ds(s * RPT, RPT)],
                        cnt_out.at[c, pl.ds(s * RPT, RPT)])

    return pl.kernel(
        body,
        out_type=[jax.ShapeDtypeStruct((NC, NACC, D), jnp.float32)],
        mesh=_mesh, scratch_types=scratch)


_agg_k = _make_agg()
_cnt_k = _make_cnt()

R = 1000


def _mm_body(a0_ref, a1_ref, cnt_ref, h_ref, wl_ref, wr_ref, b_ref, fl_ref,
             o_ref):
    agg = a0_ref[...] + a1_ref[...]
    inv = 1.0 / jnp.maximum(cnt_ref[:, 0:1], 1.0)
    mean = agg * inv
    acc = jnp.dot(mean, wl_ref[...], preferred_element_type=jnp.float32)
    acc = acc + jnp.dot(h_ref[...], wr_ref[...],
                        preferred_element_type=jnp.float32)
    acc = acc + b_ref[...]
    o_ref[...] = jnp.where(fl_ref[...] > 0.0, jnp.maximum(acc, 0.0), acc)


_mm_k = pl.pallas_call(
    _mm_body,
    grid=(N // R,),
    in_specs=[
        pl.BlockSpec((R, D), lambda i: (i, 0)),
        pl.BlockSpec((R, D), lambda i: (i, 0)),
        pl.BlockSpec((R, D), lambda i: (i, 0)),
        pl.BlockSpec((R, D), lambda i: (i, 0)),
        pl.BlockSpec((D, D), lambda i: (0, 0)),
        pl.BlockSpec((D, D), lambda i: (0, 0)),
        pl.BlockSpec((1, D), lambda i: (0, 0)),
        pl.BlockSpec((1, D), lambda i: (0, 0)),
    ],
    out_specs=pl.BlockSpec((R, D), lambda i: (i, 0)),
    out_shape=jax.ShapeDtypeStruct((N, D), jnp.float32),
)


@jax.jit
def kernel(x, edge_index, W_l1, b_l1, W_r1, W_l2, b_l2, W_r2,
           W_l3, b_l3, W_r3):
    pad = EPAD - E
    src = jnp.concatenate([edge_index[0], jnp.zeros((pad,), jnp.int32)])
    src = src.reshape(NC, NS, KCH, CH)
    dst = jnp.concatenate([edge_index[1],
                           jnp.full((pad,), NACC, jnp.int32)])
    dst = dst.reshape(NC, NS, KCH, CH)

    cntp, = _cnt_k(dst)
    cnt = cntp[0] + cntp[1]

    Wl = jnp.stack([W_l1, W_l2, W_l3])
    Wr = jnp.stack([W_r1, W_r2, W_r3])
    B = jnp.stack([b_l1, b_l2, b_l3]).reshape(3, 1, D)
    FL = jnp.array([1.0, 1.0, 0.0], jnp.float32)[:, None, None] \
        * jnp.ones((1, 1, D), jnp.float32)

    def step(h, lyr):
        wl, wr, bb, fl = lyr
        agg, = _agg_k(h, src, dst)
        h2 = _mm_k(agg[0], agg[1], cnt, h, wl, wr, bb, fl)
        return h2, None

    h, _ = lax.scan(step, x, (Wl, Wr, B, FL))
    return h

# --- scband reference (transcript-rebuilt; emitter-appended) ---
"""Pipeline reference for scband-sage-51788715655557 (READ-ONLY COPY).

The authoritative reference and input builder live on the scoring server;
editing this copy changes nothing except your own understanding.
"""

import jax, jax.numpy as jnp
import numpy as np

N = 10000
E = 320000
D = 128


def setup_inputs(seed: int = 0) -> dict:
    key = jax.random.key(seed)
    ks = jax.random.split(key, 12)
    s = 1.0 / np.sqrt(D)
    inp = {
        "x": jax.random.normal(ks[0], (N, D), dtype=jnp.float32),
        "edge_index": jax.random.randint(ks[1], (2, E), 0, N, dtype=jnp.int32),
        "W_l1": jax.random.normal(ks[2], (D, D), dtype=jnp.float32) * s,
        "b_l1": jnp.zeros((D,), dtype=jnp.float32),
        "W_r1": jax.random.normal(ks[3], (D, D), dtype=jnp.float32) * s,
        "W_l2": jax.random.normal(ks[4], (D, D), dtype=jnp.float32) * s,
        "b_l2": jnp.zeros((D,), dtype=jnp.float32),
        "W_r2": jax.random.normal(ks[5], (D, D), dtype=jnp.float32) * s,
        "W_l3": jax.random.normal(ks[6], (D, D), dtype=jnp.float32) * s,
        "b_l3": jnp.zeros((D,), dtype=jnp.float32),
        "W_r3": jax.random.normal(ks[7], (D, D), dtype=jnp.float32) * s,
    }
    return inp


def _sage_conv(x, edge_index, Wl, bl, Wr, num_nodes):
    # PyG SAGEConv with mean aggregation and root_weight=True:
    #   out = lin_l(mean_{j in N(i)} x_j) + lin_r(x_i)
    src = edge_index[0]
    dst = edge_index[1]
    msgs = jnp.take(x, src, axis=0)                              # gather  [E, d]
    agg = jax.ops.segment_sum(msgs, dst, num_segments=num_nodes)  # scatter-add [N, d]
    cnt = jax.ops.segment_sum(jnp.ones((msgs.shape[0],), dtype=x.dtype), dst, num_segments=num_nodes)
    mean = agg / jnp.clip(cnt, 1.0, None)[:, None]
    return mean @ Wl + bl + x @ Wr


def reference(x, edge_index, W_l1, b_l1, W_r1, W_l2, b_l2, W_r2, W_l3, b_l3, W_r3):
    # 3-layer SAGE; dropout is identity in eval mode (training=False)
    n = x.shape[0]
    h = jax.nn.relu(_sage_conv(x, edge_index, W_l1, b_l1, W_r1, n))
    h = jax.nn.relu(_sage_conv(h, edge_index, W_l2, b_l2, W_r2, n))
    h = _sage_conv(h, edge_index, W_l3, b_l3, W_r3, n)
    return h

if __name__ == "__main__":
    import jax
    _d = setup_inputs()
    print(jax.jit(kernel)(*tuple(_d.values())))

</pallas_src>

<mosaic_0001>
#map = affine_map<(d0, d1) -> (0, 0, 0, 0)>
#map1 = affine_map<(d0, d1) -> (0, 0, 0)>
module attributes {stable_mosaic.version = 14 : i64} {
  func.func @body(%arg0: i32, %arg1: i32, %arg2: memref<2x16x79x128xi32, #tpu.memory_space<hbm>>, %arg3: memref<2x10240x128xf32, #tpu.memory_space<hbm>>, %arg4: memref<79x128xi32, #tpu.memory_space<vmem>>, %arg5: memref<128x128xf32, #tpu.memory_space<vmem>>, %arg6: memref<10248x128xf32, #tpu.memory_space<vmem_shared>>, %arg7: memref<!tpu.dma_semaphore, #tpu.memory_space<semaphore_mem>>) attributes {dimension_semantics = [#tpu.dimension_semantics<core_parallel>, #tpu.dimension_semantics<subcore_parallel>], iteration_bounds = array<i64: 2, 16>, scalar_prefetch = 0 : i64, scratch_operands = 4 : i64, tpu.core_type = #tpu.core_type<sc_vector_subcore>, window_params = [{transform_indices = #map}, {transform_indices = #map1}]} {
    %scan3A = arith.constant 0 : i32
    %scan3A_0 = arith.constant 0 : i32
    %scan3A_1 = arith.constant 1024 : i32
    %scan3A_2 = arith.addi %scan3A_0, %scan3A_1 : i32
    %scan3A_3 = arith.constant 1 : i32
    scf.for %scan3A_42 = %scan3A_0 to %scan3A_2 step %scan3A_3  : i32 {
      %jit3A = arith.constant 8 : i32
      %div3A = arith.divsi %scan3A_42, %jit3A : i32
      %sign3A = arith.constant 0 : i32
      %sign3A_43 = arith.cmpi sgt, %scan3A_42, %sign3A : i32
      %sign3A_44 = arith.extui %sign3A_43 : i1 to i32
      %sign3A_45 = arith.constant 0 : i32
      %sign3A_46 = arith.cmpi slt, %scan3A_42, %sign3A_45 : i32
      %sign3A_47 = arith.extui %sign3A_46 : i1 to i32
      %sign3A_48 = arith.subi %sign3A_44, %sign3A_47 : i32
      %sign3A_49 = arith.constant 0 : i32
      %sign3A_50 = arith.cmpi sgt, %jit3A, %sign3A_49 : i32
      %sign3A_51 = arith.extui %sign3A_50 : i1 to i32
      %sign3A_52 = arith.constant 0 : i32
      %sign3A_53 = arith.cmpi slt, %jit3A, %sign3A_52 : i32
      %sign3A_54 = arith.extui %sign3A_53 : i1 to i32
      %sign3A_55 = arith.subi %sign3A_51, %sign3A_54 : i32
      %ne3A = arith.cmpi ne, %sign3A_48, %sign3A_55 : i32
      %rem3A = arith.remsi %scan3A_42, %jit3A : i32
      %ne3A_56 = arith.constant 0 : i32
      %ne3A_57 = arith.cmpi ne, %rem3A, %ne3A_56 : i32
      %and3A = arith.andi %ne3A, %ne3A_57 : i1
      %sub3A = arith.constant 1 : i32
      %sub3A_58 = arith.subi %div3A, %sub3A : i32
      %select_n3A = arith.select %and3A, %sub3A_58, %div3A : i32
      %jit3A_59 = arith.constant 8 : i32
      %eq3A_60 = arith.constant 0 : i32
      %eq3A_61 = arith.cmpi eq, %jit3A_59, %eq3A_60 : i32
      %jit3A_62 = arith.constant 1 : i32
      %select_n3A_63 = arith.select %eq3A_61, %jit3A_62, %jit3A_59 : i32
      %rem3A_64 = arith.remsi %scan3A_42, %select_n3A_63 : i32
      %ne3A_65 = arith.constant 0 : i32
      %ne3A_66 = arith.cmpi ne, %rem3A_64, %ne3A_65 : i32
      %lt3A = arith.constant 0 : i32
      %lt3A_67 = arith.cmpi slt, %rem3A_64, %lt3A : i32
      %lt3A_68 = arith.constant 0 : i32
      %lt3A_69 = arith.cmpi slt, %select_n3A_63, %lt3A_68 : i32
      %ne3A_70 = arith.xori %lt3A_67, %lt3A_69 : i1
      %and3A_71 = arith.andi %ne3A_70, %ne3A_66 : i1
      %add3A_72 = arith.addi %rem3A_64, %select_n3A_63 : i32
      %select_n3A_73 = arith.select %and3A_71, %add3A_72, %rem3A_64 : i32
      %mul3A_74 = arith.constant 16 : i32
      %mul3A_75 = arith.muli %select_n3A_73, %mul3A_74 : i32
      %broadcast_in_dim3A = arith.constant 0.000000e+00 : f32
      %broadcast_in_dim3A_76 = vector.broadcast %broadcast_in_dim3A : f32 to vector<16xf32>
      %swap3A = arith.index_cast %select_n3A : i32 to index
      %swap3A_77 = arith.index_cast %mul3A_75 : i32 to index
      %swap3A_78 = tpu.vector_load %arg5[%swap3A, %swap3A_77] {strides = array<i32>} : memref<128x128xf32, #tpu.memory_space<vmem>>, vector<1x16xf32>,
      %swap3A_79 = vector.shape_cast %swap3A_78 : vector<1x16xf32> to vector<16xf32>
      %swap3A_80 = vector.shape_cast %broadcast_in_dim3A_76 : vector<16xf32> to vector<1x16xf32>
      tpu.vector_store %arg5[%swap3A, %swap3A_77], %swap3A_80 {strides = array<i32>} : memref<128x128xf32, #tpu.memory_space<vmem>>, vector<1x16xf32>,
    }
    %scan3A_4 = arith.constant 1024 : i32
    %mul3A = arith.constant 640 : i32
    %mul3A_5 = arith.muli %arg1, %mul3A : i32
    %add3A = arith.constant 0 : i32
    %add3A_6 = arith.addi %mul3A_5, %add3A : i32
    "tpu.region"() ({
      %run_scoped3A = tpu.sem_alloc : memref<!tpu.dma_semaphore, #tpu.memory_space<semaphore_mem>>
      %dma_start3A = arith.constant 0 : i32
      %dma_start3A_42 = tpu.memref_slice %arg6[%add3A_6, %dma_start3A] : memref<10248x128xf32, #tpu.memory_space<vmem_shared>> -> memref<128x128xf32, #tpu.memory_space<vmem_shared>>
      %dma_start3A_43 = arith.constant 0 : i32
      %dma_start3A_44 = tpu.memref_slice %arg6[%add3A_6, %dma_start3A_43] : memref<10248x128xf32, #tpu.memory_space<vmem_shared>> -> memref<128x128xf32, #tpu.memory_space<vmem_shared>>
      tpu.enqueue_dma source(%arg5 : memref<128x128xf32, #tpu.memory_space<vmem>>) target(%dma_start3A_44 : memref<128x128xf32, #tpu.memory_space<vmem_shared>>) target_semaphore(%run_scoped3A : memref<!tpu.dma_semaphore, #tpu.memory_space<semaphore_mem>>)
      %dma_wait3A = arith.constant 0 : i32
      %dma_wait3A_45 = tpu.memref_slice %arg6[%add3A_6, %dma_wait3A] : memref<10248x128xf32, #tpu.memory_space<vmem_shared>> -> memref<128x128xf32, #tpu.memory_space<vmem_shared>>
      %dma_wait3A_46 = arith.constant 0 : i32
      %dma_wait3A_47 = tpu.memref_slice %arg6[%add3A_6, %dma_wait3A_46] : memref<10248x128xf32, #tpu.memory_space<vmem_shared>> -> memref<128x128xf32, #tpu.memory_space<vmem_shared>>
      tpu.wait_dma2 semaphore(%run_scoped3A : memref<!tpu.dma_semaphore, #tpu.memory_space<semaphore_mem>>) src(%arg5 : memref<128x128xf32, #tpu.memory_space<vmem>>) dst(%dma_wait3A_47 : memref<128x128xf32, #tpu.memory_space<vmem_shared>>)
      tpu.yield
    }) : () -> ()
    %mul3A_7 = arith.constant 640 : i32
    %mul3A_8 = arith.muli %arg1, %mul3A_7 : i32
    %add3A_9 = arith.constant 128 : i32
    %add3A_10 = arith.addi %mul3A_8, %add3A_9 : i32
    "tpu.region"() ({
      %run_scoped3A = tpu.sem_alloc : memref<!tpu.dma_semaphore, #tpu.memory_space<semaphore_mem>>
      %dma_start3A = arith.constant 0 : i32
      %dma_start3A_42 = tpu.memref_slice %arg6[%add3A_10, %dma_start3A] : memref<10248x128xf32, #tpu.memory_space<vmem_shared>> -> memref<128x128xf32, #tpu.memory_space<vmem_shared>>
      %dma_start3A_43 = arith.constant 0 : i32
      %dma_start3A_44 = tpu.memref_slice %arg6[%add3A_10, %dma_start3A_43] : memref<10248x128xf32, #tpu.memory_space<vmem_shared>> -> memref<128x128xf32, #tpu.memory_space<vmem_shared>>
      tpu.enqueue_dma source(%arg5 : memref<128x128xf32, #tpu.memory_space<vmem>>) target(%dma_start3A_44 : memref<128x128xf32, #tpu.memory_space<vmem_shared>>) target_semaphore(%run_scoped3A : memref<!tpu.dma_semaphore, #tpu.memory_space<semaphore_mem>>)
      %dma_wait3A = arith.constant 0 : i32
      %dma_wait3A_45 = tpu.memref_slice %arg6[%add3A_10, %dma_wait3A] : memref<10248x128xf32, #tpu.memory_space<vmem_shared>> -> memref<128x128xf32, #tpu.memory_space<vmem_shared>>
      %dma_wait3A_46 = arith.constant 0 : i32
      %dma_wait3A_47 = tpu.memref_slice %arg6[%add3A_10, %dma_wait3A_46] : memref<10248x128xf32, #tpu.memory_space<vmem_shared>> -> memref<128x128xf32, #tpu.memory_space<vmem_shared>>
      tpu.wait_dma2 semaphore(%run_scoped3A : memref<!tpu.dma_semaphore, #tpu.memory_space<semaphore_mem>>) src(%arg5 : memref<128x128xf32, #tpu.memory_space<vmem>>) dst(%dma_wait3A_47 : memref<128x128xf32, #tpu.memory_space<vmem_shared>>)
      tpu.yield
    }) : () -> ()
    %mul3A_11 = arith.constant 640 : i32
    %mul3A_12 = arith.muli %arg1, %mul3A_11 : i32
    %add3A_13 = arith.constant 256 : i32
    %add3A_14 = arith.addi %mul3A_12, %add3A_13 : i32
    "tpu.region"() ({
      %run_scoped3A = tpu.sem_alloc : memref<!tpu.dma_semaphore, #tpu.memory_space<semaphore_mem>>
      %dma_start3A = arith.constant 0 : i32
      %dma_start3A_42 = tpu.memref_slice %arg6[%add3A_14, %dma_start3A] : memref<10248x128xf32, #tpu.memory_space<vmem_shared>> -> memref<128x128xf32, #tpu.memory_space<vmem_shared>>
      %dma_start3A_43 = arith.constant 0 : i32
      %dma_start3A_44 = tpu.memref_slice %arg6[%add3A_14, %dma_start3A_43] : memref<10248x128xf32, #tpu.memory_space<vmem_shared>> -> memref<128x128xf32, #tpu.memory_space<vmem_shared>>
      tpu.enqueue_dma source(%arg5 : memref<128x128xf32, #tpu.memory_space<vmem>>) target(%dma_start3A_44 : memref<128x128xf32, #tpu.memory_space<vmem_shared>>) target_semaphore(%run_scoped3A : memref<!tpu.dma_semaphore, #tpu.memory_space<semaphore_mem>>)
      %dma_wait3A = arith.constant 0 : i32
      %dma_wait3A_45 = tpu.memref_slice %arg6[%add3A_14, %dma_wait3A] : memref<10248x128xf32, #tpu.memory_space<vmem_shared>> -> memref<128x128xf32, #tpu.memory_space<vmem_shared>>
      %dma_wait3A_46 = arith.constant 0 : i32
      %dma_wait3A_47 = tpu.memref_slice %arg6[%add3A_14, %dma_wait3A_46] : memref<10248x128xf32, #tpu.memory_space<vmem_shared>> -> memref<128x128xf32, #tpu.memory_space<vmem_shared>>
      tpu.wait_dma2 semaphore(%run_scoped3A : memref<!tpu.dma_semaphore, #tpu.memory_space<semaphore_mem>>) src(%arg5 : memref<128x128xf32, #tpu.memory_space<vmem>>) dst(%dma_wait3A_47 : memref<128x128xf32, #tpu.memory_space<vmem_shared>>)
      tpu.yield
    }) : () -> ()
    %mul3A_15 = arith.constant 640 : i32
    %mul3A_16 = arith.muli %arg1, %mul3A_15 : i32
    %add3A_17 = arith.constant 384 : i32
    %add3A_18 = arith.addi %mul3A_16, %add3A_17 : i32
    "tpu.region"() ({
      %run_scoped3A = tpu.sem_alloc : memref<!tpu.dma_semaphore, #tpu.memory_space<semaphore_mem>>
      %dma_start3A = arith.constant 0 : i32
      %dma_start3A_42 = tpu.memref_slice %arg6[%add3A_18, %dma_start3A] : memref<10248x128xf32, #tpu.memory_space<vmem_shared>> -> memref<128x128xf32, #tpu.memory_space<vmem_shared>>
      %dma_start3A_43 = arith.constant 0 : i32
      %dma_start3A_44 = tpu.memref_slice %arg6[%add3A_18, %dma_start3A_43] : memref<10248x128xf32, #tpu.memory_space<vmem_shared>> -> memref<128x128xf32, #tpu.memory_space<vmem_shared>>
      tpu.enqueue_dma source(%arg5 : memref<128x128xf32, #tpu.memory_space<vmem>>) target(%dma_start3A_44 : memref<128x128xf32, #tpu.memory_space<vmem_shared>>) target_semaphore(%run_scoped3A : memref<!tpu.dma_semaphore, #tpu.memory_space<semaphore_mem>>)
      %dma_wait3A = arith.constant 0 : i32
      %dma_wait3A_45 = tpu.memref_slice %arg6[%add3A_18, %dma_wait3A] : memref<10248x128xf32, #tpu.memory_space<vmem_shared>> -> memref<128x128xf32, #tpu.memory_space<vmem_shared>>
      %dma_wait3A_46 = arith.constant 0 : i32
      %dma_wait3A_47 = tpu.memref_slice %arg6[%add3A_18, %dma_wait3A_46] : memref<10248x128xf32, #tpu.memory_space<vmem_shared>> -> memref<128x128xf32, #tpu.memory_space<vmem_shared>>
      tpu.wait_dma2 semaphore(%run_scoped3A : memref<!tpu.dma_semaphore, #tpu.memory_space<semaphore_mem>>) src(%arg5 : memref<128x128xf32, #tpu.memory_space<vmem>>) dst(%dma_wait3A_47 : memref<128x128xf32, #tpu.memory_space<vmem_shared>>)
      tpu.yield
    }) : () -> ()
    %mul3A_19 = arith.constant 640 : i32
    %mul3A_20 = arith.muli %arg1, %mul3A_19 : i32
    %add3A_21 = arith.constant 512 : i32
    %add3A_22 = arith.addi %mul3A_20, %add3A_21 : i32
    "tpu.region"() ({
      %run_scoped3A = tpu.sem_alloc : memref<!tpu.dma_semaphore, #tpu.memory_space<semaphore_mem>>
      %dma_start3A = arith.constant 0 : i32
      %dma_start3A_42 = tpu.memref_slice %arg6[%add3A_22, %dma_start3A] : memref<10248x128xf32, #tpu.memory_space<vmem_shared>> -> memref<128x128xf32, #tpu.memory_space<vmem_shared>>
      %dma_start3A_43 = arith.constant 0 : i32
      %dma_start3A_44 = tpu.memref_slice %arg6[%add3A_22, %dma_start3A_43] : memref<10248x128xf32, #tpu.memory_space<vmem_shared>> -> memref<128x128xf32, #tpu.memory_space<vmem_shared>>
      tpu.enqueue_dma source(%arg5 : memref<128x128xf32, #tpu.memory_space<vmem>>) target(%dma_start3A_44 : memref<128x128xf32, #tpu.memory_space<vmem_shared>>) target_semaphore(%run_scoped3A : memref<!tpu.dma_semaphore, #tpu.memory_space<semaphore_mem>>)
      %dma_wait3A = arith.constant 0 : i32
      %dma_wait3A_45 = tpu.memref_slice %arg6[%add3A_22, %dma_wait3A] : memref<10248x128xf32, #tpu.memory_space<vmem_shared>> -> memref<128x128xf32, #tpu.memory_space<vmem_shared>>
      %dma_wait3A_46 = arith.constant 0 : i32
      %dma_wait3A_47 = tpu.memref_slice %arg6[%add3A_22, %dma_wait3A_46] : memref<10248x128xf32, #tpu.memory_space<vmem_shared>> -> memref<128x128xf32, #tpu.memory_space<vmem_shared>>
      tpu.wait_dma2 semaphore(%run_scoped3A : memref<!tpu.dma_semaphore, #tpu.memory_space<semaphore_mem>>) src(%arg5 : memref<128x128xf32, #tpu.memory_space<vmem>>) dst(%dma_wait3A_47 : memref<128x128xf32, #tpu.memory_space<vmem_shared>>)
      tpu.yield
    }) : () -> ()
    %eq3A = arith.constant 0 : i32
    %eq3A_23 = arith.cmpi eq, %arg1, %eq3A : i32
    %convert_element_type3A = arith.extui %eq3A_23 : i1 to i32
    %cond3A = arith.constant 0 : i32
    %cond3A_24 = arith.cmpi ne, %convert_element_type3A, %cond3A : i32
    scf.if %cond3A_24 {
      "tpu.region"() ({
        %run_scoped3A = tpu.sem_alloc : memref<!tpu.dma_semaphore, #tpu.memory_space<semaphore_mem>>
        %dma_start3A = arith.constant 0 : i32
        %dma_start3A_42 = arith.constant 0 : i32
        %dma_start3A_43 = tpu.memref_slice %arg5[%dma_start3A, %dma_start3A_42] : memref<128x128xf32, #tpu.memory_space<vmem>> -> memref<8x128xf32, #tpu.memory_space<vmem>>
        %dma_start3A_44 = arith.constant 10240 : i32
        %dma_start3A_45 = arith.constant 0 : i32
        %dma_start3A_46 = tpu.memref_slice %arg6[%dma_start3A_44, %dma_start3A_45] : memref<10248x128xf32, #tpu.memory_space<vmem_shared>> -> memref<8x128xf32, #tpu.memory_space<vmem_shared>>
        %dma_start3A_47 = arith.constant 10240 : i32
        %dma_start3A_48 = arith.constant 0 : i32
        %dma_start3A_49 = tpu.memref_slice %arg6[%dma_start3A_47, %dma_start3A_48] : memref<10248x128xf32, #tpu.memory_space<vmem_shared>> -> memref<8x128xf32, #tpu.memory_space<vmem_shared>>
        %dma_start3A_50 = arith.constant 0 : i32
        %dma_start3A_51 = arith.constant 0 : i32
        %dma_start3A_52 = tpu.memref_slice %arg5[%dma_start3A_50, %dma_start3A_51] : memref<128x128xf32, #tpu.memory_space<vmem>> -> memref<8x128xf32, #tpu.memory_space<vmem>>
        tpu.enqueue_dma source(%dma_start3A_52 : memref<8x128xf32, #tpu.memory_space<vmem>>) target(%dma_start3A_49 : memref<8x128xf32, #tpu.memory_space<vmem_shared>>) target_semaphore(%run_scoped3A : memref<!tpu.dma_semaphore, #tpu.memory_space<semaphore_mem>>)
        %dma_wait3A = arith.constant 0 : i32
        %dma_wait3A_53 = arith.constant 0 : i32
        %dma_wait3A_54 = tpu.memref_slice %arg5[%dma_wait3A, %dma_wait3A_53] : memref<128x128xf32, #tpu.memory_space<vmem>> -> memref<8x128xf32, #tpu.memory_space<vmem>>
        %dma_wait3A_55 = arith.constant 10240 : i32
        %dma_wait3A_56 = arith.constant 0 : i32
        %dma_wait3A_57 = tpu.memref_slice %arg6[%dma_wait3A_55, %dma_wait3A_56] : memref<10248x128xf32, #tpu.memory_space<vmem_shared>> -> memref<8x128xf32, #tpu.memory_space<vmem_shared>>
        %dma_wait3A_58 = arith.constant 10240 : i32
        %dma_wait3A_59 = arith.constant 0 : i32
        %dma_wait3A_60 = tpu.memref_slice %arg6[%dma_wait3A_58, %dma_wait3A_59] : memref<10248x128xf32, #tpu.memory_space<vmem_shared>> -> memref<8x128xf32, #tpu.memory_space<vmem_shared>>
        %dma_wait3A_61 = arith.constant 0 : i32
        %dma_wait3A_62 = arith.constant 0 : i32
        %dma_wait3A_63 = tpu.memref_slice %arg5[%dma_wait3A_61, %dma_wait3A_62] : memref<128x128xf32, #tpu.memory_space<vmem>> -> memref<8x128xf32, #tpu.memory_space<vmem>>
        tpu.wait_dma2 semaphore(%run_scoped3A : memref<!tpu.dma_semaphore, #tpu.memory_space<semaphore_mem>>) src(%dma_wait3A_63 : memref<8x128xf32, #tpu.memory_space<vmem>>) dst(%dma_wait3A_60 : memref<8x128xf32, #tpu.memory_space<vmem_shared>>)
        tpu.yield
      }) : () -> ()
    } else {
    }
    %scan3A_25 = arith.constant 0 : i32
    %scan3A_26 = arith.constant 0 : i32
    %scan3A_27 = arith.constant 1024 : i32
    %scan3A_28 = arith.addi %scan3A_26, %scan3A_27 : i32
    %scan3A_29 = arith.constant 1 : i32
    scf.for %scan3A_42 = %scan3A_26 to %scan3A_28 step %scan3A_29  : i32 {
      %jit3A = arith.constant 8 : i32
      %div3A = arith.divsi %scan3A_42, %jit3A : i32
      %sign3A = arith.constant 0 : i32
      %sign3A_43 = arith.cmpi sgt, %scan3A_42, %sign3A : i32
      %sign3A_44 = arith.extui %sign3A_43 : i1 to i32
      %sign3A_45 = arith.constant 0 : i32
      %sign3A_46 = arith.cmpi slt, %scan3A_42, %sign3A_45 : i32
      %sign3A_47 = arith.extui %sign3A_46 : i1 to i32
      %sign3A_48 = arith.subi %sign3A_44, %sign3A_47 : i32
      %sign3A_49 = arith.constant 0 : i32
      %sign3A_50 = arith.cmpi sgt, %jit3A, %sign3A_49 : i32
      %sign3A_51 = arith.extui %sign3A_50 : i1 to i32
      %sign3A_52 = arith.constant 0 : i32
      %sign3A_53 = arith.cmpi slt, %jit3A, %sign3A_52 : i32
      %sign3A_54 = arith.extui %sign3A_53 : i1 to i32
      %sign3A_55 = arith.subi %sign3A_51, %sign3A_54 : i32
      %ne3A = arith.cmpi ne, %sign3A_48, %sign3A_55 : i32
      %rem3A = arith.remsi %scan3A_42, %jit3A : i32
      %ne3A_56 = arith.constant 0 : i32
      %ne3A_57 = arith.cmpi ne, %rem3A, %ne3A_56 : i32
      %and3A = arith.andi %ne3A, %ne3A_57 : i1
      %sub3A = arith.constant 1 : i32
      %sub3A_58 = arith.subi %div3A, %sub3A : i32
      %select_n3A = arith.select %and3A, %sub3A_58, %div3A : i32
      %jit3A_59 = arith.constant 8 : i32
      %eq3A_60 = arith.constant 0 : i32
      %eq3A_61 = arith.cmpi eq, %jit3A_59, %eq3A_60 : i32
      %jit3A_62 = arith.constant 1 : i32
      %select_n3A_63 = arith.select %eq3A_61, %jit3A_62, %jit3A_59 : i32
      %rem3A_64 = arith.remsi %scan3A_42, %select_n3A_63 : i32
      %ne3A_65 = arith.constant 0 : i32
      %ne3A_66 = arith.cmpi ne, %rem3A_64, %ne3A_65 : i32
      %lt3A = arith.constant 0 : i32
      %lt3A_67 = arith.cmpi slt, %rem3A_64, %lt3A : i32
      %lt3A_68 = arith.constant 0 : i32
      %lt3A_69 = arith.cmpi slt, %select_n3A_63, %lt3A_68 : i32
      %ne3A_70 = arith.xori %lt3A_67, %lt3A_69 : i1
      %and3A_71 = arith.andi %ne3A_70, %ne3A_66 : i1
      %add3A_72 = arith.addi %rem3A_64, %select_n3A_63 : i32
      %select_n3A_73 = arith.select %and3A_71, %add3A_72, %rem3A_64 : i32
      %mul3A_74 = arith.constant 16 : i32
      %mul3A_75 = arith.muli %select_n3A_73, %mul3A_74 : i32
      %broadcast_in_dim3A = arith.constant 1.000000e+00 : f32
      %broadcast_in_dim3A_76 = vector.broadcast %broadcast_in_dim3A : f32 to vector<16xf32>
      %swap3A = arith.index_cast %select_n3A : i32 to index
      %swap3A_77 = arith.index_cast %mul3A_75 : i32 to index
      %swap3A_78 = tpu.vector_load %arg5[%swap3A, %swap3A_77] {strides = array<i32>} : memref<128x128xf32, #tpu.memory_space<vmem>>, vector<1x16xf32>,
      %swap3A_79 = vector.shape_cast %swap3A_78 : vector<1x16xf32> to vector<16xf32>
      %swap3A_80 = vector.shape_cast %broadcast_in_dim3A_76 : vector<16xf32> to vector<1x16xf32>
      tpu.vector_store %arg5[%swap3A, %swap3A_77], %swap3A_80 {strides = array<i32>} : memref<128x128xf32, #tpu.memory_space<vmem>>, vector<1x16xf32>,
    }
    %scan3A_30 = arith.constant 1024 : i32
    "tpu.region"() ({
      %run_scoped3A = tpu.sem_alloc : memref<!tpu.dma_semaphore, #tpu.memory_space<semaphore_mem>>
      %dma_start3A = arith.constant 0 : i32
      %dma_start3A_42 = arith.constant 0 : i32
      %dma_start3A_43 = tpu.memref_slice %arg2[%arg0, %arg1, %dma_start3A, %dma_start3A_42] : memref<2x16x79x128xi32, #tpu.memory_space<hbm>> -> memref<1x1x79x128xi32, #tpu.memory_space<hbm>>
      %dma_start3A_44 = tpu.memref_squeeze %dma_start3A_43 : memref<1x1x79x128xi32, #tpu.memory_space<hbm>> -> memref<79x128xi32, #tpu.memory_space<hbm>>
      %dma_start3A_45 = arith.constant 0 : i32
      %dma_start3A_46 = arith.constant 0 : i32
      %dma_start3A_47 = tpu.memref_slice %arg2[%arg0, %arg1, %dma_start3A_45, %dma_start3A_46] : memref<2x16x79x128xi32, #tpu.memory_space<hbm>> -> memref<1x1x79x128xi32, #tpu.memory_space<hbm>>
      %dma_start3A_48 = tpu.memref_squeeze %dma_start3A_47 : memref<1x1x79x128xi32, #tpu.memory_space<hbm>> -> memref<79x128xi32, #tpu.memory_space<hbm>>
      tpu.enqueue_dma source(%dma_start3A_48 : memref<79x128xi32, #tpu.memory_space<hbm>>) target(%arg4 : memref<79x128xi32, #tpu.memory_space<vmem>>) target_semaphore(%run_scoped3A : memref<!tpu.dma_semaphore, #tpu.memory_space<semaphore_mem>>)
      %dma_wait3A = arith.constant 0 : i32
      %dma_wait3A_49 = arith.constant 0 : i32
      %dma_wait3A_50 = tpu.memref_slice %arg2[%arg0, %arg1, %dma_wait3A, %dma_wait3A_49] : memref<2x16x79x128xi32, #tpu.memory_space<hbm>> -> memref<1x1x79x128xi32, #tpu.memory_space<hbm>>
      %dma_wait3A_51 = tpu.memref_squeeze %dma_wait3A_50 : memref<1x1x79x128xi32, #tpu.memory_space<hbm>> -> memref<79x128xi32, #tpu.memory_space<hbm>>
      %dma_wait3A_52 = arith.constant 0 : i32
      %dma_wait3A_53 = arith.constant 0 : i32
      %dma_wait3A_54 = tpu.memref_slice %arg2[%arg0, %arg1, %dma_wait3A_52, %dma_wait3A_53] : memref<2x16x79x128xi32, #tpu.memory_space<hbm>> -> memref<1x1x79x128xi32, #tpu.memory_space<hbm>>
      %dma_wait3A_55 = tpu.memref_squeeze %dma_wait3A_54 : memref<1x1x79x128xi32, #tpu.memory_space<hbm>> -> memref<79x128xi32, #tpu.memory_space<hbm>>
      tpu.wait_dma2 semaphore(%run_scoped3A : memref<!tpu.dma_semaphore, #tpu.memory_space<semaphore_mem>>) src(%dma_wait3A_55 : memref<79x128xi32, #tpu.memory_space<hbm>>) dst(%arg4 : memref<79x128xi32, #tpu.memory_space<vmem>>)
      tpu.yield
    }) : () -> ()
    %barrier3A = arith.constant 0 : index
    tpu.barrier barrier_id(%barrier3A)
    %scan3A_31 = arith.constant 0 : i32
    %scan3A_32 = arith.constant 0 : i32
    %scan3A_33 = arith.constant 79 : i32
    %scan3A_34 = arith.addi %scan3A_32, %scan3A_33 : i32
    %scan3A_35 = arith.constant 1 : i32
    scf.for %scan3A_42 = %scan3A_32 to %scan3A_34 step %scan3A_35  : i32 {
      "tpu.region"() ({
        %run_scoped3A = tpu.sem_alloc : memref<!tpu.dma_semaphore, #tpu.memory_space<semaphore_mem>>
        %dma_start3A = arith.constant 0 : i32
        %dma_start3A_43 = tpu.memref_slice %arg4[%scan3A_42, %dma_start3A] : memref<79x128xi32, #tpu.memory_space<vmem>> -> memref<1x128xi32, #tpu.memory_space<vmem>>
        %dma_start3A_44 = tpu.memref_squeeze %dma_start3A_43 : memref<1x128xi32, #tpu.memory_space<vmem>> -> memref<128xi32, #tpu.memory_space<vmem>>
        %dma_start3A_45 = arith.constant 0 : i32
        %dma_start3A_46 = arith.constant 0 : i32
        %dma_start3A_47 = tpu.memref_slice %arg6[%dma_start3A_45, %dma_start3A_46] : memref<10248x128xf32, #tpu.memory_space<vmem_shared>> -> memref<10248x128xf32, #tpu.memory_space<vmem_shared>>
        tpu.enqueue_indirect_dma source(%arg5 : memref<128x128xf32, #tpu.memory_space<vmem>>) target(%dma_start3A_47 : memref<10248x128xf32, #tpu.memory_space<vmem_shared>>) offsets(%dma_start3A_44 : memref<128xi32, #tpu.memory_space<vmem>>) semaphore(%run_scoped3A : memref<!tpu.dma_semaphore, #tpu.memory_space<semaphore_mem>>) {add = true}
        %dma_wait3A = arith.constant 0 : i32
        %dma_wait3A_48 = tpu.memref_slice %arg4[%scan3A_42, %dma_wait3A] : memref<79x128xi32, #tpu.memory_space<vmem>> -> memref<1x128xi32, #tpu.memory_space<vmem>>
        %dma_wait3A_49 = tpu.memref_squeeze %dma_wait3A_48 : memref<1x128xi32, #tpu.memory_space<vmem>> -> memref<128xi32, #tpu.memory_space<vmem>>
        %dma_wait3A_50 = arith.constant 0 : i32
        %dma_wait3A_51 = arith.constant 0 : i32
        %dma_wait3A_52 = tpu.memref_slice %arg6[%dma_wait3A_50, %dma_wait3A_51] : memref<10248x128xf32, #tpu.memory_space<vmem_shared>> -> memref<10248x128xf32, #tpu.memory_space<vmem_shared>>
        tpu.wait_indirect_dma semaphore(%run_scoped3A : memref<!tpu.dma_semaphore, #tpu.memory_space<semaphore_mem>>) src(%arg5 : memref<128x128xf32, #tpu.memory_space<vmem>>) dst(%dma_wait3A_52 : memref<10248x128xf32, #tpu.memory_space<vmem_shared>>)
        tpu.yield
      }) : () -> ()
    }
    %scan3A_36 = arith.constant 79 : i32
    %barrier3A_37 = arith.constant 0 : index
    tpu.barrier barrier_id(%barrier3A_37)
    %mul3A_38 = arith.constant 640 : i32
    %mul3A_39 = arith.muli %arg1, %mul3A_38 : i32
    %mul3A_40 = arith.constant 640 : i32
    %mul3A_41 = arith.muli %arg1, %mul3A_40 : i32
    "tpu.region"() ({
      %run_scoped3A = tpu.sem_alloc : memref<!tpu.dma_semaphore, #tpu.memory_space<semaphore_mem>>
      %dma_start3A = arith.constant 0 : i32
      %dma_start3A_42 = tpu.memref_slice %arg3[%arg0, %mul3A_41, %dma_start3A] : memref<2x10240x128xf32, #tpu.memory_space<hbm>> -> memref<1x640x128xf32, #tpu.memory_space<hbm>>
      %dma_start3A_43 = tpu.memref_squeeze %dma_start3A_42 : memref<1x640x128xf32, #tpu.memory_space<hbm>> -> memref<640x128xf32, #tpu.memory_space<hbm>>
      %dma_start3A_44 = arith.constant 0 : i32
      %dma_start3A_45 = tpu.memref_slice %arg6[%mul3A_39, %dma_start3A_44] : memref<10248x128xf32, #tpu.memory_space<vmem_shared>> -> memref<640x128xf32, #tpu.memory_space<vmem_shared>>
      tpu.enqueue_dma source(%dma_start3A_45 : memref<640x128xf32, #tpu.memory_space<vmem_shared>>) target(%dma_start3A_43 : memref<640x128xf32, #tpu.memory_space<hbm>>) target_semaphore(%run_scoped3A : memref<!tpu.dma_semaphore, #tpu.memory_space<semaphore_mem>>)
      %dma_wait3A = arith.constant 0 : i32
      %dma_wait3A_46 = tpu.memref_slice %arg3[%arg0, %mul3A_41, %dma_wait3A] : memref<2x10240x128xf32, #tpu.memory_space<hbm>> -> memref<1x640x128xf32, #tpu.memory_space<hbm>>
      %dma_wait3A_47 = tpu.memref_squeeze %dma_wait3A_46 : memref<1x640x128xf32, #tpu.memory_space<hbm>> -> memref<640x128xf32, #tpu.memory_space<hbm>>
      %dma_wait3A_48 = arith.constant 0 : i32
      %dma_wait3A_49 = tpu.memref_slice %arg6[%mul3A_39, %dma_wait3A_48] : memref<10248x128xf32, #tpu.memory_space<vmem_shared>> -> memref<640x128xf32, #tpu.memory_space<vmem_shared>>
      tpu.wait_dma2 semaphore(%run_scoped3A : memref<!tpu.dma_semaphore, #tpu.memory_space<semaphore_mem>>) src(%dma_wait3A_49 : memref<640x128xf32, #tpu.memory_space<vmem_shared>>) dst(%dma_wait3A_47 : memref<640x128xf32, #tpu.memory_space<hbm>>)
      tpu.yield
    }) : () -> ()
    return
  }
}

#map = affine_map<(d0, d1) -> (0, 0)>
#map1 = affine_map<(d0, d1) -> (0, 0, 0, 0)>
#map2 = affine_map<(d0, d1) -> (0, 0, 0)>
module attributes {stable_mosaic.version = 14 : i64} {
  func.func @body(%arg0: i32, %arg1: i32, %arg2: memref<10000x128xf32, #tpu.memory_space<hbm>>, %arg3: memref<2x16x79x128xi32, #tpu.memory_space<hbm>>, %arg4: memref<2x16x79x128xi32, #tpu.memory_space<hbm>>, %arg5: memref<2x10240x128xf32, #tpu.memory_space<hbm>>, %arg6: memref<79x128xi32, #tpu.memory_space<vmem>>, %arg7: memref<79x128xi32, #tpu.memory_space<vmem>>, %arg8: memref<128x128xf32, #tpu.memory_space<vmem>>, %arg9: memref<10248x128xf32, #tpu.memory_space<vmem_shared>>, %arg10: memref<!tpu.dma_semaphore, #tpu.memory_space<semaphore_mem>>) attributes {dimension_semantics = [#tpu.dimension_semantics<core_parallel>, #tpu.dimension_semantics<subcore_parallel>], iteration_bounds = array<i64: 2, 16>, scalar_prefetch = 0 : i64, scratch_operands = 5 : i64, tpu.core_type = #tpu.core_type<sc_vector_subcore>, window_params = [{transform_indices = #map}, {transform_indices = #map1}, {transform_indices = #map1}, {transform_indices = #map2}]} {
    %scan3A = arith.constant 0 : i32
    %scan3A_0 = arith.constant 0 : i32
    %scan3A_1 = arith.constant 1024 : i32
    %scan3A_2 = arith.addi %scan3A_0, %scan3A_1 : i32
    %scan3A_3 = arith.constant 1 : i32
    scf.for %scan3A_36 = %scan3A_0 to %scan3A_2 step %scan3A_3  : i32 {
      %jit3A = arith.constant 8 : i32
      %div3A = arith.divsi %scan3A_36, %jit3A : i32
      %sign3A = arith.constant 0 : i32
      %sign3A_37 = arith.cmpi sgt, %scan3A_36, %sign3A : i32
      %sign3A_38 = arith.extui %sign3A_37 : i1 to i32
      %sign3A_39 = arith.constant 0 : i32
      %sign3A_40 = arith.cmpi slt, %scan3A_36, %sign3A_39 : i32
      %sign3A_41 = arith.extui %sign3A_40 : i1 to i32
      %sign3A_42 = arith.subi %sign3A_38, %sign3A_41 : i32
      %sign3A_43 = arith.constant 0 : i32
      %sign3A_44 = arith.cmpi sgt, %jit3A, %sign3A_43 : i32
      %sign3A_45 = arith.extui %sign3A_44 : i1 to i32
      %sign3A_46 = arith.constant 0 : i32
      %sign3A_47 = arith.cmpi slt, %jit3A, %sign3A_46 : i32
      %sign3A_48 = arith.extui %sign3A_47 : i1 to i32
      %sign3A_49 = arith.subi %sign3A_45, %sign3A_48 : i32
      %ne3A = arith.cmpi ne, %sign3A_42, %sign3A_49 : i32
      %rem3A = arith.remsi %scan3A_36, %jit3A : i32
      %ne3A_50 = arith.constant 0 : i32
      %ne3A_51 = arith.cmpi ne, %rem3A, %ne3A_50 : i32
      %and3A = arith.andi %ne3A, %ne3A_51 : i1
      %sub3A = arith.constant 1 : i32
      %sub3A_52 = arith.subi %div3A, %sub3A : i32
      %select_n3A = arith.select %and3A, %sub3A_52, %div3A : i32
      %jit3A_53 = arith.constant 8 : i32
      %eq3A_54 = arith.constant 0 : i32
      %eq3A_55 = arith.cmpi eq, %jit3A_53, %eq3A_54 : i32
      %jit3A_56 = arith.constant 1 : i32
      %select_n3A_57 = arith.select %eq3A_55, %jit3A_56, %jit3A_53 : i32
      %rem3A_58 = arith.remsi %scan3A_36, %select_n3A_57 : i32
      %ne3A_59 = arith.constant 0 : i32
      %ne3A_60 = arith.cmpi ne, %rem3A_58, %ne3A_59 : i32
      %lt3A = arith.constant 0 : i32
      %lt3A_61 = arith.cmpi slt, %rem3A_58, %lt3A : i32
      %lt3A_62 = arith.constant 0 : i32
      %lt3A_63 = arith.cmpi slt, %select_n3A_57, %lt3A_62 : i32
      %ne3A_64 = arith.xori %lt3A_61, %lt3A_63 : i1
      %and3A_65 = arith.andi %ne3A_64, %ne3A_60 : i1
      %add3A_66 = arith.addi %rem3A_58, %select_n3A_57 : i32
      %select_n3A_67 = arith.select %and3A_65, %add3A_66, %rem3A_58 : i32
      %mul3A_68 = arith.constant 16 : i32
      %mul3A_69 = arith.muli %select_n3A_67, %mul3A_68 : i32
      %broadcast_in_dim3A = arith.constant 0.000000e+00 : f32
      %broadcast_in_dim3A_70 = vector.broadcast %broadcast_in_dim3A : f32 to vector<16xf32>
      %swap3A = arith.index_cast %select_n3A : i32 to index
      %swap3A_71 = arith.index_cast %mul3A_69 : i32 to index
      %swap3A_72 = tpu.vector_load %arg8[%swap3A, %swap3A_71] {strides = array<i32>} : memref<128x128xf32, #tpu.memory_space<vmem>>, vector<1x16xf32>,
      %swap3A_73 = vector.shape_cast %swap3A_72 : vector<1x16xf32> to vector<16xf32>
      %swap3A_74 = vector.shape_cast %broadcast_in_dim3A_70 : vector<16xf32> to vector<1x16xf32>
      tpu.vector_store %arg8[%swap3A, %swap3A_71], %swap3A_74 {strides = array<i32>} : memref<128x128xf32, #tpu.memory_space<vmem>>, vector<1x16xf32>,
    }
    %scan3A_4 = arith.constant 1024 : i32
    %mul3A = arith.constant 640 : i32
    %mul3A_5 = arith.muli %arg1, %mul3A : i32
    %add3A = arith.constant 0 : i32
    %add3A_6 = arith.addi %mul3A_5, %add3A : i32
    "tpu.region"() ({
      %run_scoped3A = tpu.sem_alloc : memref<!tpu.dma_semaphore, #tpu.memory_space<semaphore_mem>>
      %dma_start3A = arith.constant 0 : i32
      %dma_start3A_36 = tpu.memref_slice %arg9[%add3A_6, %dma_start3A] : memref<10248x128xf32, #tpu.memory_space<vmem_shared>> -> memref<128x128xf32, #tpu.memory_space<vmem_shared>>
      %dma_start3A_37 = arith.constant 0 : i32
      %dma_start3A_38 = tpu.memref_slice %arg9[%add3A_6, %dma_start3A_37] : memref<10248x128xf32, #tpu.memory_space<vmem_shared>> -> memref<128x128xf32, #tpu.memory_space<vmem_shared>>
      tpu.enqueue_dma source(%arg8 : memref<128x128xf32, #tpu.memory_space<vmem>>) target(%dma_start3A_38 : memref<128x128xf32, #tpu.memory_space<vmem_shared>>) target_semaphore(%run_scoped3A : memref<!tpu.dma_semaphore, #tpu.memory_space<semaphore_mem>>)
      %dma_wait3A = arith.constant 0 : i32
      %dma_wait3A_39 = tpu.memref_slice %arg9[%add3A_6, %dma_wait3A] : memref<10248x128xf32, #tpu.memory_space<vmem_shared>> -> memref<128x128xf32, #tpu.memory_space<vmem_shared>>
      %dma_wait3A_40 = arith.constant 0 : i32
      %dma_wait3A_41 = tpu.memref_slice %arg9[%add3A_6, %dma_wait3A_40] : memref<10248x128xf32, #tpu.memory_space<vmem_shared>> -> memref<128x128xf32, #tpu.memory_space<vmem_shared>>
      tpu.wait_dma2 semaphore(%run_scoped3A : memref<!tpu.dma_semaphore, #tpu.memory_space<semaphore_mem>>) src(%arg8 : memref<128x128xf32, #tpu.memory_space<vmem>>) dst(%dma_wait3A_41 : memref<128x128xf32, #tpu.memory_space<vmem_shared>>)
      tpu.yield
    }) : () -> ()
    %mul3A_7 = arith.constant 640 : i32
    %mul3A_8 = arith.muli %arg1, %mul3A_7 : i32
    %add3A_9 = arith.constant 128 : i32
    %add3A_10 = arith.addi %mul3A_8, %add3A_9 : i32
    "tpu.region"() ({
      %run_scoped3A = tpu.sem_alloc : memref<!tpu.dma_semaphore, #tpu.memory_space<semaphore_mem>>
      %dma_start3A = arith.constant 0 : i32
      %dma_start3A_36 = tpu.memref_slice %arg9[%add3A_10, %dma_start3A] : memref<10248x128xf32, #tpu.memory_space<vmem_shared>> -> memref<128x128xf32, #tpu.memory_space<vmem_shared>>
      %dma_start3A_37 = arith.constant 0 : i32
      %dma_start3A_38 = tpu.memref_slice %arg9[%add3A_10, %dma_start3A_37] : memref<10248x128xf32, #tpu.memory_space<vmem_shared>> -> memref<128x128xf32, #tpu.memory_space<vmem_shared>>
      tpu.enqueue_dma source(%arg8 : memref<128x128xf32, #tpu.memory_space<vmem>>) target(%dma_start3A_38 : memref<128x128xf32, #tpu.memory_space<vmem_shared>>) target_semaphore(%run_scoped3A : memref<!tpu.dma_semaphore, #tpu.memory_space<semaphore_mem>>)
      %dma_wait3A = arith.constant 0 : i32
      %dma_wait3A_39 = tpu.memref_slice %arg9[%add3A_10, %dma_wait3A] : memref<10248x128xf32, #tpu.memory_space<vmem_shared>> -> memref<128x128xf32, #tpu.memory_space<vmem_shared>>
      %dma_wait3A_40 = arith.constant 0 : i32
      %dma_wait3A_41 = tpu.memref_slice %arg9[%add3A_10, %dma_wait3A_40] : memref<10248x128xf32, #tpu.memory_space<vmem_shared>> -> memref<128x128xf32, #tpu.memory_space<vmem_shared>>
      tpu.wait_dma2 semaphore(%run_scoped3A : memref<!tpu.dma_semaphore, #tpu.memory_space<semaphore_mem>>) src(%arg8 : memref<128x128xf32, #tpu.memory_space<vmem>>) dst(%dma_wait3A_41 : memref<128x128xf32, #tpu.memory_space<vmem_shared>>)
      tpu.yield
    }) : () -> ()
    %mul3A_11 = arith.constant 640 : i32
    %mul3A_12 = arith.muli %arg1, %mul3A_11 : i32
    %add3A_13 = arith.constant 256 : i32
    %add3A_14 = arith.addi %mul3A_12, %add3A_13 : i32
    "tpu.region"() ({
      %run_scoped3A = tpu.sem_alloc : memref<!tpu.dma_semaphore, #tpu.memory_space<semaphore_mem>>
      %dma_start3A = arith.constant 0 : i32
      %dma_start3A_36 = tpu.memref_slice %arg9[%add3A_14, %dma_start3A] : memref<10248x128xf32, #tpu.memory_space<vmem_shared>> -> memref<128x128xf32, #tpu.memory_space<vmem_shared>>
      %dma_start3A_37 = arith.constant 0 : i32
      %dma_start3A_38 = tpu.memref_slice %arg9[%add3A_14, %dma_start3A_37] : memref<10248x128xf32, #tpu.memory_space<vmem_shared>> -> memref<128x128xf32, #tpu.memory_space<vmem_shared>>
      tpu.enqueue_dma source(%arg8 : memref<128x128xf32, #tpu.memory_space<vmem>>) target(%dma_start3A_38 : memref<128x128xf32, #tpu.memory_space<vmem_shared>>) target_semaphore(%run_scoped3A : memref<!tpu.dma_semaphore, #tpu.memory_space<semaphore_mem>>)
      %dma_wait3A = arith.constant 0 : i32
      %dma_wait3A_39 = tpu.memref_slice %arg9[%add3A_14, %dma_wait3A] : memref<10248x128xf32, #tpu.memory_space<vmem_shared>> -> memref<128x128xf32, #tpu.memory_space<vmem_shared>>
      %dma_wait3A_40 = arith.constant 0 : i32
      %dma_wait3A_41 = tpu.memref_slice %arg9[%add3A_14, %dma_wait3A_40] : memref<10248x128xf32, #tpu.memory_space<vmem_shared>> -> memref<128x128xf32, #tpu.memory_space<vmem_shared>>
      tpu.wait_dma2 semaphore(%run_scoped3A : memref<!tpu.dma_semaphore, #tpu.memory_space<semaphore_mem>>) src(%arg8 : memref<128x128xf32, #tpu.memory_space<vmem>>) dst(%dma_wait3A_41 : memref<128x128xf32, #tpu.memory_space<vmem_shared>>)
      tpu.yield
    }) : () -> ()
    %mul3A_15 = arith.constant 640 : i32
    %mul3A_16 = arith.muli %arg1, %mul3A_15 : i32
    %add3A_17 = arith.constant 384 : i32
    %add3A_18 = arith.addi %mul3A_16, %add3A_17 : i32
    "tpu.region"() ({
      %run_scoped3A = tpu.sem_alloc : memref<!tpu.dma_semaphore, #tpu.memory_space<semaphore_mem>>
      %dma_start3A = arith.constant 0 : i32
      %dma_start3A_36 = tpu.memref_slice %arg9[%add3A_18, %dma_start3A] : memref<10248x128xf32, #tpu.memory_space<vmem_shared>> -> memref<128x128xf32, #tpu.memory_space<vmem_shared>>
      %dma_start3A_37 = arith.constant 0 : i32
      %dma_start3A_38 = tpu.memref_slice %arg9[%add3A_18, %dma_start3A_37] : memref<10248x128xf32, #tpu.memory_space<vmem_shared>> -> memref<128x128xf32, #tpu.memory_space<vmem_shared>>
      tpu.enqueue_dma source(%arg8 : memref<128x128xf32, #tpu.memory_space<vmem>>) target(%dma_start3A_38 : memref<128x128xf32, #tpu.memory_space<vmem_shared>>) target_semaphore(%run_scoped3A : memref<!tpu.dma_semaphore, #tpu.memory_space<semaphore_mem>>)
      %dma_wait3A = arith.constant 0 : i32
      %dma_wait3A_39 = tpu.memref_slice %arg9[%add3A_18, %dma_wait3A] : memref<10248x128xf32, #tpu.memory_space<vmem_shared>> -> memref<128x128xf32, #tpu.memory_space<vmem_shared>>
      %dma_wait3A_40 = arith.constant 0 : i32
      %dma_wait3A_41 = tpu.memref_slice %arg9[%add3A_18, %dma_wait3A_40] : memref<10248x128xf32, #tpu.memory_space<vmem_shared>> -> memref<128x128xf32, #tpu.memory_space<vmem_shared>>
      tpu.wait_dma2 semaphore(%run_scoped3A : memref<!tpu.dma_semaphore, #tpu.memory_space<semaphore_mem>>) src(%arg8 : memref<128x128xf32, #tpu.memory_space<vmem>>) dst(%dma_wait3A_41 : memref<128x128xf32, #tpu.memory_space<vmem_shared>>)
      tpu.yield
    }) : () -> ()
    %mul3A_19 = arith.constant 640 : i32
    %mul3A_20 = arith.muli %arg1, %mul3A_19 : i32
    %add3A_21 = arith.constant 512 : i32
    %add3A_22 = arith.addi %mul3A_20, %add3A_21 : i32
    "tpu.region"() ({
      %run_scoped3A = tpu.sem_alloc : memref<!tpu.dma_semaphore, #tpu.memory_space<semaphore_mem>>
      %dma_start3A = arith.constant 0 : i32
      %dma_start3A_36 = tpu.memref_slice %arg9[%add3A_22, %dma_start3A] : memref<10248x128xf32, #tpu.memory_space<vmem_shared>> -> memref<128x128xf32, #tpu.memory_space<vmem_shared>>
      %dma_start3A_37 = arith.constant 0 : i32
      %dma_start3A_38 = tpu.memref_slice %arg9[%add3A_22, %dma_start3A_37] : memref<10248x128xf32, #tpu.memory_space<vmem_shared>> -> memref<128x128xf32, #tpu.memory_space<vmem_shared>>
      tpu.enqueue_dma source(%arg8 : memref<128x128xf32, #tpu.memory_space<vmem>>) target(%dma_start3A_38 : memref<128x128xf32, #tpu.memory_space<vmem_shared>>) target_semaphore(%run_scoped3A : memref<!tpu.dma_semaphore, #tpu.memory_space<semaphore_mem>>)
      %dma_wait3A = arith.constant 0 : i32
      %dma_wait3A_39 = tpu.memref_slice %arg9[%add3A_22, %dma_wait3A] : memref<10248x128xf32, #tpu.memory_space<vmem_shared>> -> memref<128x128xf32, #tpu.memory_space<vmem_shared>>
      %dma_wait3A_40 = arith.constant 0 : i32
      %dma_wait3A_41 = tpu.memref_slice %arg9[%add3A_22, %dma_wait3A_40] : memref<10248x128xf32, #tpu.memory_space<vmem_shared>> -> memref<128x128xf32, #tpu.memory_space<vmem_shared>>
      tpu.wait_dma2 semaphore(%run_scoped3A : memref<!tpu.dma_semaphore, #tpu.memory_space<semaphore_mem>>) src(%arg8 : memref<128x128xf32, #tpu.memory_space<vmem>>) dst(%dma_wait3A_41 : memref<128x128xf32, #tpu.memory_space<vmem_shared>>)
      tpu.yield
    }) : () -> ()
    %eq3A = arith.constant 0 : i32
    %eq3A_23 = arith.cmpi eq, %arg1, %eq3A : i32
    %convert_element_type3A = arith.extui %eq3A_23 : i1 to i32
    %cond3A = arith.constant 0 : i32
    %cond3A_24 = arith.cmpi ne, %convert_element_type3A, %cond3A : i32
    scf.if %cond3A_24 {
      "tpu.region"() ({
        %run_scoped3A = tpu.sem_alloc : memref<!tpu.dma_semaphore, #tpu.memory_space<semaphore_mem>>
        %dma_start3A = arith.constant 0 : i32
        %dma_start3A_36 = arith.constant 0 : i32
        %dma_start3A_37 = tpu.memref_slice %arg8[%dma_start3A, %dma_start3A_36] : memref<128x128xf32, #tpu.memory_space<vmem>> -> memref<8x128xf32, #tpu.memory_space<vmem>>
        %dma_start3A_38 = arith.constant 10240 : i32
        %dma_start3A_39 = arith.constant 0 : i32
        %dma_start3A_40 = tpu.memref_slice %arg9[%dma_start3A_38, %dma_start3A_39] : memref<10248x128xf32, #tpu.memory_space<vmem_shared>> -> memref<8x128xf32, #tpu.memory_space<vmem_shared>>
        %dma_start3A_41 = arith.constant 10240 : i32
        %dma_start3A_42 = arith.constant 0 : i32
        %dma_start3A_43 = tpu.memref_slice %arg9[%dma_start3A_41, %dma_start3A_42] : memref<10248x128xf32, #tpu.memory_space<vmem_shared>> -> memref<8x128xf32, #tpu.memory_space<vmem_shared>>
        %dma_start3A_44 = arith.constant 0 : i32
        %dma_start3A_45 = arith.constant 0 : i32
        %dma_start3A_46 = tpu.memref_slice %arg8[%dma_start3A_44, %dma_start3A_45] : memref<128x128xf32, #tpu.memory_space<vmem>> -> memref<8x128xf32, #tpu.memory_space<vmem>>
        tpu.enqueue_dma source(%dma_start3A_46 : memref<8x128xf32, #tpu.memory_space<vmem>>) target(%dma_start3A_43 : memref<8x128xf32, #tpu.memory_space<vmem_shared>>) target_semaphore(%run_scoped3A : memref<!tpu.dma_semaphore, #tpu.memory_space<semaphore_mem>>)
        %dma_wait3A = arith.constant 0 : i32
        %dma_wait3A_47 = arith.constant 0 : i32
        %dma_wait3A_48 = tpu.memref_slice %arg8[%dma_wait3A, %dma_wait3A_47] : memref<128x128xf32, #tpu.memory_space<vmem>> -> memref<8x128xf32, #tpu.memory_space<vmem>>
        %dma_wait3A_49 = arith.constant 10240 : i32
        %dma_wait3A_50 = arith.constant 0 : i32
        %dma_wait3A_51 = tpu.memref_slice %arg9[%dma_wait3A_49, %dma_wait3A_50] : memref<10248x128xf32, #tpu.memory_space<vmem_shared>> -> memref<8x128xf32, #tpu.memory_space<vmem_shared>>
        %dma_wait3A_52 = arith.constant 10240 : i32
        %dma_wait3A_53 = arith.constant 0 : i32
        %dma_wait3A_54 = tpu.memref_slice %arg9[%dma_wait3A_52, %dma_wait3A_53] : memref<10248x128xf32, #tpu.memory_space<vmem_shared>> -> memref<8x128xf32, #tpu.memory_space<vmem_shared>>
        %dma_wait3A_55 = arith.constant 0 : i32
        %dma_wait3A_56 = arith.constant 0 : i32
        %dma_wait3A_57 = tpu.memref_slice %arg8[%dma_wait3A_55, %dma_wait3A_56] : memref<128x128xf32, #tpu.memory_space<vmem>> -> memref<8x128xf32, #tpu.memory_space<vmem>>
        tpu.wait_dma2 semaphore(%run_scoped3A : memref<!tpu.dma_semaphore, #tpu.memory_space<semaphore_mem>>) src(%dma_wait3A_57 : memref<8x128xf32, #tpu.memory_space<vmem>>) dst(%dma_wait3A_54 : memref<8x128xf32, #tpu.memory_space<vmem_shared>>)
        tpu.yield
      }) : () -> ()
    } else {
    }
    "tpu.region"() ({
      %run_scoped3A = tpu.sem_alloc : memref<!tpu.dma_semaphore, #tpu.memory_space<semaphore_mem>>
      %dma_start3A = arith.constant 0 : i32
      %dma_start3A_36 = arith.constant 0 : i32
      %dma_start3A_37 = tpu.memref_slice %arg3[%arg0, %arg1, %dma_start3A, %dma_start3A_36] : memref<2x16x79x128xi32, #tpu.memory_space<hbm>> -> memref<1x1x79x128xi32, #tpu.memory_space<hbm>>
      %dma_start3A_38 = tpu.memref_squeeze %dma_start3A_37 : memref<1x1x79x128xi32, #tpu.memory_space<hbm>> -> memref<79x128xi32, #tpu.memory_space<hbm>>
      %dma_start3A_39 = arith.constant 0 : i32
      %dma_start3A_40 = arith.constant 0 : i32
      %dma_start3A_41 = tpu.memref_slice %arg3[%arg0, %arg1, %dma_start3A_39, %dma_start3A_40] : memref<2x16x79x128xi32, #tpu.memory_space<hbm>> -> memref<1x1x79x128xi32, #tpu.memory_space<hbm>>
      %dma_start3A_42 = tpu.memref_squeeze %dma_start3A_41 : memref<1x1x79x128xi32, #tpu.memory_space<hbm>> -> memref<79x128xi32, #tpu.memory_space<hbm>>
      tpu.enqueue_dma source(%dma_start3A_42 : memref<79x128xi32, #tpu.memory_space<hbm>>) target(%arg6 : memref<79x128xi32, #tpu.memory_space<vmem>>) target_semaphore(%run_scoped3A : memref<!tpu.dma_semaphore, #tpu.memory_space<semaphore_mem>>)
      %dma_wait3A = arith.constant 0 : i32
      %dma_wait3A_43 = arith.constant 0 : i32
      %dma_wait3A_44 = tpu.memref_slice %arg3[%arg0, %arg1, %dma_wait3A, %dma_wait3A_43] : memref<2x16x79x128xi32, #tpu.memory_space<hbm>> -> memref<1x1x79x128xi32, #tpu.memory_space<hbm>>
      %dma_wait3A_45 = tpu.memref_squeeze %dma_wait3A_44 : memref<1x1x79x128xi32, #tpu.memory_space<hbm>> -> memref<79x128xi32, #tpu.memory_space<hbm>>
      %dma_wait3A_46 = arith.constant 0 : i32
      %dma_wait3A_47 = arith.constant 0 : i32
      %dma_wait3A_48 = tpu.memref_slice %arg3[%arg0, %arg1, %dma_wait3A_46, %dma_wait3A_47] : memref<2x16x79x128xi32, #tpu.memory_space<hbm>> -> memref<1x1x79x128xi32, #tpu.memory_space<hbm>>
      %dma_wait3A_49 = tpu.memref_squeeze %dma_wait3A_48 : memref<1x1x79x128xi32, #tpu.memory_space<hbm>> -> memref<79x128xi32, #tpu.memory_space<hbm>>
      tpu.wait_dma2 semaphore(%run_scoped3A : memref<!tpu.dma_semaphore, #tpu.memory_space<semaphore_mem>>) src(%dma_wait3A_49 : memref<79x128xi32, #tpu.memory_space<hbm>>) dst(%arg6 : memref<79x128xi32, #tpu.memory_space<vmem>>)
      tpu.yield
    }) : () -> ()
    "tpu.region"() ({
      %run_scoped3A = tpu.sem_alloc : memref<!tpu.dma_semaphore, #tpu.memory_space<semaphore_mem>>
      %dma_start3A = arith.constant 0 : i32
      %dma_start3A_36 = arith.constant 0 : i32
      %dma_start3A_37 = tpu.memref_slice %arg4[%arg0, %arg1, %dma_start3A, %dma_start3A_36] : memref<2x16x79x128xi32, #tpu.memory_space<hbm>> -> memref<1x1x79x128xi32, #tpu.memory_space<hbm>>
      %dma_start3A_38 = tpu.memref_squeeze %dma_start3A_37 : memref<1x1x79x128xi32, #tpu.memory_space<hbm>> -> memref<79x128xi32, #tpu.memory_space<hbm>>
      %dma_start3A_39 = arith.constant 0 : i32
      %dma_start3A_40 = arith.constant 0 : i32
      %dma_start3A_41 = tpu.memref_slice %arg4[%arg0, %arg1, %dma_start3A_39, %dma_start3A_40] : memref<2x16x79x128xi32, #tpu.memory_space<hbm>> -> memref<1x1x79x128xi32, #tpu.memory_space<hbm>>
      %dma_start3A_42 = tpu.memref_squeeze %dma_start3A_41 : memref<1x1x79x128xi32, #tpu.memory_space<hbm>> -> memref<79x128xi32, #tpu.memory_space<hbm>>
      tpu.enqueue_dma source(%dma_start3A_42 : memref<79x128xi32, #tpu.memory_space<hbm>>) target(%arg7 : memref<79x128xi32, #tpu.memory_space<vmem>>) target_semaphore(%run_scoped3A : memref<!tpu.dma_semaphore, #tpu.memory_space<semaphore_mem>>)
      %dma_wait3A = arith.constant 0 : i32
      %dma_wait3A_43 = arith.constant 0 : i32
      %dma_wait3A_44 = tpu.memref_slice %arg4[%arg0, %arg1, %dma_wait3A, %dma_wait3A_43] : memref<2x16x79x128xi32, #tpu.memory_space<hbm>> -> memref<1x1x79x128xi32, #tpu.memory_space<hbm>>
      %dma_wait3A_45 = tpu.memref_squeeze %dma_wait3A_44 : memref<1x1x79x128xi32, #tpu.memory_space<hbm>> -> memref<79x128xi32, #tpu.memory_space<hbm>>
      %dma_wait3A_46 = arith.constant 0 : i32
      %dma_wait3A_47 = arith.constant 0 : i32
      %dma_wait3A_48 = tpu.memref_slice %arg4[%arg0, %arg1, %dma_wait3A_46, %dma_wait3A_47] : memref<2x16x79x128xi32, #tpu.memory_space<hbm>> -> memref<1x1x79x128xi32, #tpu.memory_space<hbm>>
      %dma_wait3A_49 = tpu.memref_squeeze %dma_wait3A_48 : memref<1x1x79x128xi32, #tpu.memory_space<hbm>> -> memref<79x128xi32, #tpu.memory_space<hbm>>
      tpu.wait_dma2 semaphore(%run_scoped3A : memref<!tpu.dma_semaphore, #tpu.memory_space<semaphore_mem>>) src(%dma_wait3A_49 : memref<79x128xi32, #tpu.memory_space<hbm>>) dst(%arg7 : memref<79x128xi32, #tpu.memory_space<vmem>>)
      tpu.yield
    }) : () -> ()
    %barrier3A = arith.constant 0 : index
    tpu.barrier barrier_id(%barrier3A)
    %scan3A_25 = arith.constant 0 : i32
    %scan3A_26 = arith.constant 0 : i32
    %scan3A_27 = arith.constant 79 : i32
    %scan3A_28 = arith.addi %scan3A_26, %scan3A_27 : i32
    %scan3A_29 = arith.constant 1 : i32
    scf.for %scan3A_36 = %scan3A_26 to %scan3A_28 step %scan3A_29  : i32 {
      "tpu.region"() ({
        %run_scoped3A = tpu.sem_alloc : memref<!tpu.dma_semaphore, #tpu.memory_space<semaphore_mem>>
        %dma_start3A = arith.constant 0 : i32
        %dma_start3A_37 = tpu.memref_slice %arg6[%scan3A_36, %dma_start3A] : memref<79x128xi32, #tpu.memory_space<vmem>> -> memref<1x128xi32, #tpu.memory_space<vmem>>
        %dma_start3A_38 = tpu.memref_squeeze %dma_start3A_37 : memref<1x128xi32, #tpu.memory_space<vmem>> -> memref<128xi32, #tpu.memory_space<vmem>>
        %dma_start3A_39 = arith.constant 0 : i32
        %dma_start3A_40 = arith.constant 0 : i32
        %dma_start3A_41 = tpu.memref_slice %arg2[%dma_start3A_39, %dma_start3A_40] : memref<10000x128xf32, #tpu.memory_space<hbm>> -> memref<10000x128xf32, #tpu.memory_space<hbm>>
        tpu.enqueue_indirect_dma source(%dma_start3A_41 : memref<10000x128xf32, #tpu.memory_space<hbm>>) target(%arg8 : memref<128x128xf32, #tpu.memory_space<vmem>>) offsets(%dma_start3A_38 : memref<128xi32, #tpu.memory_space<vmem>>) semaphore(%run_scoped3A : memref<!tpu.dma_semaphore, #tpu.memory_space<semaphore_mem>>)
        %dma_wait3A = arith.constant 0 : i32
        %dma_wait3A_42 = tpu.memref_slice %arg6[%scan3A_36, %dma_wait3A] : memref<79x128xi32, #tpu.memory_space<vmem>> -> memref<1x128xi32, #tpu.memory_space<vmem>>
        %dma_wait3A_43 = tpu.memref_squeeze %dma_wait3A_42 : memref<1x128xi32, #tpu.memory_space<vmem>> -> memref<128xi32, #tpu.memory_space<vmem>>
        %dma_wait3A_44 = arith.constant 0 : i32
        %dma_wait3A_45 = arith.constant 0 : i32
        %dma_wait3A_46 = tpu.memref_slice %arg2[%dma_wait3A_44, %dma_wait3A_45] : memref<10000x128xf32, #tpu.memory_space<hbm>> -> memref<10000x128xf32, #tpu.memory_space<hbm>>
        tpu.wait_indirect_dma semaphore(%run_scoped3A : memref<!tpu.dma_semaphore, #tpu.memory_space<semaphore_mem>>) src(%dma_wait3A_46 : memref<10000x128xf32, #tpu.memory_space<hbm>>) dst(%arg8 : memref<128x128xf32, #tpu.memory_space<vmem>>)
        tpu.yield
      }) : () -> ()
      "tpu.region"() ({
        %run_scoped3A = tpu.sem_alloc : memref<!tpu.dma_semaphore, #tpu.memory_space<semaphore_mem>>
        %dma_start3A = arith.constant 0 : i32
        %dma_start3A_37 = tpu.memref_slice %arg7[%scan3A_36, %dma_start3A] : memref<79x128xi32, #tpu.memory_space<vmem>> -> memref<1x128xi32, #tpu.memory_space<vmem>>
        %dma_start3A_38 = tpu.memref_squeeze %dma_start3A_37 : memref<1x128xi32, #tpu.memory_space<vmem>> -> memref<128xi32, #tpu.memory_space<vmem>>
        %dma_start3A_39 = arith.constant 0 : i32
        %dma_start3A_40 = arith.constant 0 : i32
        %dma_start3A_41 = tpu.memref_slice %arg9[%dma_start3A_39, %dma_start3A_40] : memref<10248x128xf32, #tpu.memory_space<vmem_shared>> -> memref<10248x128xf32, #tpu.memory_space<vmem_shared>>
        tpu.enqueue_indirect_dma source(%arg8 : memref<128x128xf32, #tpu.memory_space<vmem>>) target(%dma_start3A_41 : memref<10248x128xf32, #tpu.memory_space<vmem_shared>>) offsets(%dma_start3A_38 : memref<128xi32, #tpu.memory_space<vmem>>) semaphore(%run_scoped3A : memref<!tpu.dma_semaphore, #tpu.memory_space<semaphore_mem>>) {add = true}
        %dma_wait3A = arith.constant 0 : i32
        %dma_wait3A_42 = tpu.memref_slice %arg7[%scan3A_36, %dma_wait3A] : memref<79x128xi32, #tpu.memory_space<vmem>> -> memref<1x128xi32, #tpu.memory_space<vmem>>
        %dma_wait3A_43 = tpu.memref_squeeze %dma_wait3A_42 : memref<1x128xi32, #tpu.memory_space<vmem>> -> memref<128xi32, #tpu.memory_space<vmem>>
        %dma_wait3A_44 = arith.constant 0 : i32
        %dma_wait3A_45 = arith.constant 0 : i32
        %dma_wait3A_46 = tpu.memref_slice %arg9[%dma_wait3A_44, %dma_wait3A_45] : memref<10248x128xf32, #tpu.memory_space<vmem_shared>> -> memref<10248x128xf32, #tpu.memory_space<vmem_shared>>
        tpu.wait_indirect_dma semaphore(%run_scoped3A : memref<!tpu.dma_semaphore, #tpu.memory_space<semaphore_mem>>) src(%arg8 : memref<128x128xf32, #tpu.memory_space<vmem>>) dst(%dma_wait3A_46 : memref<10248x128xf32, #tpu.memory_space<vmem_shared>>)
        tpu.yield
      }) : () -> ()
    }
    %scan3A_30 = arith.constant 79 : i32
    %barrier3A_31 = arith.constant 0 : index
    tpu.barrier barrier_id(%barrier3A_31)
    %mul3A_32 = arith.constant 640 : i32
    %mul3A_33 = arith.muli %arg1, %mul3A_32 : i32
    %mul3A_34 = arith.constant 640 : i32
    %mul3A_35 = arith.muli %arg1, %mul3A_34 : i32
    "tpu.region"() ({
      %run_scoped3A = tpu.sem_alloc : memref<!tpu.dma_semaphore, #tpu.memory_space<semaphore_mem>>
      %dma_start3A = arith.constant 0 : i32
      %dma_start3A_36 = tpu.memref_slice %arg5[%arg0, %mul3A_35, %dma_start3A] : memref<2x10240x128xf32, #tpu.memory_space<hbm>> -> memref<1x640x128xf32, #tpu.memory_space<hbm>>
      %dma_start3A_37 = tpu.memref_squeeze %dma_start3A_36 : memref<1x640x128xf32, #tpu.memory_space<hbm>> -> memref<640x128xf32, #tpu.memory_space<hbm>>
      %dma_start3A_38 = arith.constant 0 : i32
      %dma_start3A_39 = tpu.memref_slice %arg9[%mul3A_33, %dma_start3A_38] : memref<10248x128xf32, #tpu.memory_space<vmem_shared>> -> memref<640x128xf32, #tpu.memory_space<vmem_shared>>
      tpu.enqueue_dma source(%dma_start3A_39 : memref<640x128xf32, #tpu.memory_space<vmem_shared>>) target(%dma_start3A_37 : memref<640x128xf32, #tpu.memory_space<hbm>>) target_semaphore(%run_scoped3A : memref<!tpu.dma_semaphore, #tpu.memory_space<semaphore_mem>>)
      %dma_wait3A = arith.constant 0 : i32
      %dma_wait3A_40 = tpu.memref_slice %arg5[%arg0, %mul3A_35, %dma_wait3A] : memref<2x10240x128xf32, #tpu.memory_space<hbm>> -> memref<1x640x128xf32, #tpu.memory_space<hbm>>
      %dma_wait3A_41 = tpu.memref_squeeze %dma_wait3A_40 : memref<1x640x128xf32, #tpu.memory_space<hbm>> -> memref<640x128xf32, #tpu.memory_space<hbm>>
      %dma_wait3A_42 = arith.constant 0 : i32
      %dma_wait3A_43 = tpu.memref_slice %arg9[%mul3A_33, %dma_wait3A_42] : memref<10248x128xf32, #tpu.memory_space<vmem_shared>> -> memref<640x128xf32, #tpu.memory_space<vmem_shared>>
      tpu.wait_dma2 semaphore(%run_scoped3A : memref<!tpu.dma_semaphore, #tpu.memory_space<semaphore_mem>>) src(%dma_wait3A_43 : memref<640x128xf32, #tpu.memory_space<vmem_shared>>) dst(%dma_wait3A_41 : memref<640x128xf32, #tpu.memory_space<hbm>>)
      tpu.yield
    }) : () -> ()
    return
  }
}

module attributes {stable_mosaic.version = 14 : i64} {
  func.func @_mm_body(%arg0: i32, %arg1: memref<1000x128xf32, #tpu.memory_space<vmem>>, %arg2: memref<1000x128xf32, #tpu.memory_space<vmem>>, %arg3: memref<1000x128xf32, #tpu.memory_space<vmem>>, %arg4: memref<1000x128xf32, #tpu.memory_space<vmem>>, %arg5: memref<128x128xf32, #tpu.memory_space<vmem>>, %arg6: memref<128x128xf32, #tpu.memory_space<vmem>>, %arg7: memref<1x128xf32, #tpu.memory_space<vmem>>, %arg8: memref<1x128xf32, #tpu.memory_space<vmem>>, %arg9: memref<1000x128xf32, #tpu.memory_space<vmem>>) attributes {dimension_semantics = [#tpu.dimension_semantics<arbitrary>], iteration_bounds = array<i64: 10>, scalar_prefetch = 0 : i64, scratch_operands = 0 : i64, tpu.core_type = #tpu.core_type<tc>, window_params = [{transform_indices = @transform_0, window_bounds = array<i64: 1000, 128>}, {transform_indices = @transform_1, window_bounds = array<i64: 1000, 128>}, {transform_indices = @transform_2, window_bounds = array<i64: 1000, 128>}, {transform_indices = @transform_3, window_bounds = array<i64: 1000, 128>}, {pipeline_mode = #tpu.pipeline_mode<synchronous>, transform_indices = @transform_4, window_bounds = array<i64: 128, 128>}, {pipeline_mode = #tpu.pipeline_mode<synchronous>, transform_indices = @transform_5, window_bounds = array<i64: 128, 128>}, {pipeline_mode = #tpu.pipeline_mode<synchronous>, transform_indices = @transform_6, window_bounds = array<i64: 1, 128>}, {pipeline_mode = #tpu.pipeline_mode<synchronous>, transform_indices = @transform_7, window_bounds = array<i64: 1, 128>}, {transform_indices = @transform_8, window_bounds = array<i64: 1000, 128>}]} {
    %get3A = arith.constant 0 : index
    %get3A_0 = arith.constant 0 : index
    %get3A_1 = vector.load %arg1[%get3A, %get3A_0] : memref<1000x128xf32, #tpu.memory_space<vmem>>, vector<1000x128xf32>
    %get3A_2 = arith.constant 0 : index
    %get3A_3 = arith.constant 0 : index
    %get3A_4 = vector.load %arg2[%get3A_2, %get3A_3] : memref<1000x128xf32, #tpu.memory_space<vmem>>, vector<1000x128xf32>
    %add3A = arith.addf %get3A_1, %get3A_4 : vector<1000x128xf32>
    %get3A_5 = arith.constant 0 : index
    %get3A_6 = arith.constant 0 : index
    %get3A_7 = vector.load %arg3[%get3A_5, %get3A_6] : memref<1000x128xf32, #tpu.memory_space<vmem>>, vector<1000x1xf32>
    %max3A = arith.constant 1.000000e+00 : f32
    %max3A_8 = vector.broadcast %max3A : f32 to vector<1000x1xf32>
    %max3A_9 = arith.maximumf %get3A_7, %max3A_8 : vector<1000x1xf32>
    %div3A = arith.constant 1.000000e+00 : f32
    %div3A_10 = vector.broadcast %div3A : f32 to vector<1000x1xf32>
    %div3A_11 = arith.divf %div3A_10, %max3A_9 : vector<1000x1xf32>
    %mul3A = vector.broadcast %div3A_11 : vector<1000x1xf32> to vector<1000x128xf32>
    %mul3A_12 = arith.mulf %add3A, %mul3A : vector<1000x128xf32>
    %get3A_13 = arith.constant 0 : index
    %get3A_14 = arith.constant 0 : index
    %get3A_15 = vector.load %arg5[%get3A_13, %get3A_14] : memref<128x128xf32, #tpu.memory_space<vmem>>, vector<128x128xf32>
    %dot_general3A = arith.constant dense<0.000000e+00> : vector<1000x128xf32>
    %dot_general3A_16 = tpu.matmul %mul3A_12, %get3A_15, %dot_general3A {dimension_numbers = #tpu.dot_dimension_numbers<[1], [0], [0], [1], [0, 0, 1, 1], [], []>, transpose_lhs_hint = false} : vector<1000x128xf32>, vector<128x128xf32>, vector<1000x128xf32> -> vector<1000x128xf32>
    %get3A_17 = arith.constant 0 : index
    %get3A_18 = arith.constant 0 : index
    %get3A_19 = vector.load %arg4[%get3A_17, %get3A_18] : memref<1000x128xf32, #tpu.memory_space<vmem>>, vector<1000x128xf32>
    %get3A_20 = arith.constant 0 : index
    %get3A_21 = arith.constant 0 : index
    %get3A_22 = vector.load %arg6[%get3A_20, %get3A_21] : memref<128x128xf32, #tpu.memory_space<vmem>>, vector<128x128xf32>
    %dot_general3A_23 = arith.constant dense<0.000000e+00> : vector<1000x128xf32>
    %dot_general3A_24 = tpu.matmul %get3A_19, %get3A_22, %dot_general3A_23 {dimension_numbers = #tpu.dot_dimension_numbers<[1], [0], [0], [1], [0, 0, 1, 1], [], []>, transpose_lhs_hint = false} : vector<1000x128xf32>, vector<128x128xf32>, vector<1000x128xf32> -> vector<1000x128xf32>
    %add3A_25 = arith.addf %dot_general3A_16, %dot_general3A_24 : vector<1000x128xf32>
    %get3A_26 = arith.constant 0 : index
    %get3A_27 = arith.constant 0 : index
    %get3A_28 = vector.load %arg7[%get3A_26, %get3A_27] : memref<1x128xf32, #tpu.memory_space<vmem>>, vector<1x128xf32>
    %add3A_29 = vector.broadcast %get3A_28 : vector<1x128xf32> to vector<1000x128xf32>
    %add3A_30 = arith.addf %add3A_25, %add3A_29 : vector<1000x128xf32>
    %get3A_31 = arith.constant 0 : index
    %get3A_32 = arith.constant 0 : index
    %get3A_33 = vector.load %arg8[%get3A_31, %get3A_32] : memref<1x128xf32, #tpu.memory_space<vmem>>, vector<1x128xf32>
    %gt3A = arith.constant 0.000000e+00 : f32
    %gt3A_34 = vector.broadcast %gt3A : f32 to vector<1x128xf32>
    %gt3A_35 = arith.cmpf ogt, %get3A_33, %gt3A_34 : vector<1x128xf32>
    %max3A_36 = arith.constant 0.000000e+00 : f32
    %max3A_37 = vector.broadcast %max3A_36 : f32 to vector<1000x128xf32>
    %max3A_38 = arith.maximumf %add3A_30, %max3A_37 : vector<1000x128xf32>
    %broadcast_in_dim3A = vector.shape_cast %gt3A_35 : vector<1x128xi1> to vector<1x128xi1>
    %broadcast_in_dim3A_39 = vector.broadcast %broadcast_in_dim3A : vector<1x128xi1> to vector<1000x128xi1>
    %select_n3A = arith.select %broadcast_in_dim3A_39, %max3A_38, %add3A_30 : vector<1000x128xi1>, vector<1000x128xf32>
    %swap3A = arith.constant 0 : index
    %swap3A_40 = arith.constant 0 : index
    %swap3A_41 = vector.load %arg9[%swap3A, %swap3A_40] : memref<1000x128xf32, #tpu.memory_space<vmem>>, vector<1000x128xf32>
    tpu.vector_store %arg9[%swap3A, %swap3A_40], %select_n3A {strides = array<i32>} : memref<1000x128xf32, #tpu.memory_space<vmem>>, vector<1000x128xf32>,
    return
  }
  func.func @transform_0(%arg0: i32) -> (i32, i32) {
    %c0_i32 = arith.constant 0 : i32
    %c0_i32_0 = arith.constant 0 : i32
    return %arg0, %c0_i32 : i32, i32
  }
  func.func @transform_1(%arg0: i32) -> (i32, i32) {
    %c0_i32 = arith.constant 0 : i32
    %c0_i32_0 = arith.constant 0 : i32
    return %arg0, %c0_i32 : i32, i32
  }
  func.func @transform_2(%arg0: i32) -> (i32, i32) {
    %c0_i32 = arith.constant 0 : i32
    %c0_i32_0 = arith.constant 0 : i32
    return %arg0, %c0_i32 : i32, i32
  }
  func.func @transform_3(%arg0: i32) -> (i32, i32) {
    %c0_i32 = arith.constant 0 : i32
    %c0_i32_0 = arith.constant 0 : i32
    return %arg0, %c0_i32 : i32, i32
  }
  func.func @transform_4(%arg0: i32) -> (i32, i32) {
    %c0_i32 = arith.constant 0 : i32
    %c0_i32_0 = arith.constant 0 : i32
    %c0_i32_1 = arith.constant 0 : i32
    return %c0_i32, %c0_i32_0 : i32, i32
  }
  func.func @transform_5(%arg0: i32) -> (i32, i32) {
    %c0_i32 = arith.constant 0 : i32
    %c0_i32_0 = arith.constant 0 : i32
    %c0_i32_1 = arith.constant 0 : i32
    return %c0_i32, %c0_i32_0 : i32, i32
  }
  func.func @transform_6(%arg0: i32) -> (i32, i32) {
    %c0_i32 = arith.constant 0 : i32
    %c0_i32_0 = arith.constant 0 : i32
    %c0_i32_1 = arith.constant 0 : i32
    return %c0_i32, %c0_i32_0 : i32, i32
  }
  func.func @transform_7(%arg0: i32) -> (i32, i32) {
    %c0_i32 = arith.constant 0 : i32
    %c0_i32_0 = arith.constant 0 : i32
    %c0_i32_1 = arith.constant 0 : i32
    return %c0_i32, %c0_i32_0 : i32, i32
  }
  func.func @transform_8(%arg0: i32) -> (i32, i32) {
    %c0_i32 = arith.constant 0 : i32
    %c0_i32_0 = arith.constant 0 : i32
    return %arg0, %c0_i32 : i32, i32
  }
}

</mosaic_0001>

<sc_bundles>
// kernel: closed_call.13.cloned.1.call-start
scs
__scs_entry_jumppad:
0x0: {  	(pc) =	sbr.rel $0x88, $3  }
0x1: {  	(tag) =	ssettag $0x0;
	lr =	simm.s32 $0x1  }
0x2: {  	[smem:$0x3F96] =	sst lr;
	_ =	strace $0xD0000000  }
0x3: {  	_ = 	snop  }
0x4: {  	_ = 	snop  }
0x5: {  	_ = 	snop  }
0x6: {  	_ = 	snop  }
0x7: {  	_ = 	snop  }
__scs_overlays_trampoline_lowered:
0x8: {  	[smem:$0x3FA5] =	sst s0  }
0x9: {  	[smem:$0x3FA6] =	sst s1  }
0xa: {  	[smem:$0x3FA7] =	sst s2  }
0xb: {  	[smem:$0x3FA8] =	sst s3  }
0xc: {  	[smem:$0x3FA9] =	sst s4  }
0xd: {  	[smem:$0x3FAA] =	sst s5  }
0xe: {  	[smem:$0x3FAB] =	sst s6  }
0xf: {  	[smem:$0x3FAC] =	sst s7  }
0x10: {  	[smem:$0x3FAD] =	sst s8  }
0x11: {  	[smem:$0x3FAE] =	sst s9;
	s0 =	simm.s32 @!p0 $0x0  }
0x12: {  	s1 =	sld [smem:$0x3F94];
	s0 =	simm.s32 @p0 $0x1  }
0x13: {  	[smem:$0x3FAF] =	sst s0;
	s0 =	simm.s32 @!p1 $0x0  }
0x14: {  	s2 =	sld [smem:$0x3F93];
	s0 =	simm.s32 @p1 $0x1  }
0x15: {  	[smem:$0x3FB0] =	sst s0;
	s0 =	simm.s32 @!p2 $0x0  }
0x16: {  	s3 =	sld [smem:$0x3FDB];
	s0 =	simm.s32 @p2 $0x1  }
0x17: {  	s4 =	simm.s32 $0x1BF5;
	[smem:$0x3FB2] =	sst s0  }
0x18: {  	s0 =	sld [smem:$0x3F95];
	_ =	swait.ge [sflag:s4], $0x0  }
0x19: {  	s7 =	sld [smem:$0x3F96]  }
0x1a: {  	s8 =	sadd.s32 $0xFFFFE003, lr  }
0x1b: {  	s9 =	sadd.s32 $0xFFFFFEF7, lr;
	s5 =	simm.s32 $0xFFFFFFFF;
	p2 =	slt.u32 s8, $0xFFFFF086  }
0x1c: {  	p1 =	slt.u32 s9, $0xF7A;
	s5 =	simm.s32 @!p2 $0x0  }
0x1d: {  	s5 =	simm.s32 @p1 $0x1;
	p0 =	seq.s32 s7, s2  }
0x1e: {  	s7 =	smul.u32 @!p0 $0xF7A, s2;
	p2 =	seq.s32 @!p0 s5, $0x0  }
0x1f: {  	s9 =	smul.u32 $0xF7A, s1;
	s8 =	simm.s32 @!p0 $0x1BF5;
	p2 =	por !p2, p0  }
0x20: {  	[sflag:s8] =	ssyncset.s32 @!p0 $0xFFFFF086;
	s6 =	sadd.s32 @!p0 s3, s7;
	s7 =	simm.s32 @!p0 $0x108  }
0x21: {  	s3 =	sadd.s32 s3, s9;
	s6 =	sadd.s32 @!p0 $0x88, s6;
	s7 =	simm.s32 @p2 $0x1082  }
0x22: {  	[simem:s7], [sflag:s8] =	dma.local @!p0 [hbm:s6], $0xF7A  }
0x23: {  	s9 =	sor.u32 $0xD0000000, s2;
	s6 =	simm.s32 $0x108;
	_ =	swait.ge @!p0 [sflag:s8], $0x0  }
0x24: {  	s3 =	sadd.s32 $0x88, s3;
	s6 =	simm.s32 @!p1 $0x1082;
	[sflag:s4] =	ssyncset.s32 $0xFFFFF086  }
0x25: {  	[simem:s6], [sflag:s4] =	dma.local [hbm:s3], $0xF7A  }
0x26: {  	[smem:$0x3F96] =	sst s1;
	(tag) =	ssettag s2;
	_ =	strace s9  }
0x27: {  	s1 =	sld [smem:$0x3FA6]  }
0x28: {  	s2 =	sld [smem:$0x3FA7]  }
0x29: {  	s4 =	sld [smem:$0x3FA9]  }
0x2a: {  	p0 =	seq.s32 s5, $0x0;
	s5 =	sld [smem:$0x3FAA]  }
0x2b: {  	s6 =	sld [smem:$0x3FAB]  }
0x2c: {  	s7 =	sld [smem:$0x3FAC]  }
0x2d: {  	s3 =	simm.s32 $0x108;
	s8 =	sld [smem:$0x3FAD]  }
0x2e: {  	s3 =	simm.s32 @!p0 $0x1082;
	s9 =	sld [smem:$0x3FAE]  }
0x2f: {  	lr =	sadd.s32 s0, s3;
	s0 =	sld [smem:$0x3FA5]  }
0x30: {  	s3 =	sld [smem:$0x3FA8]  }
0x31: {  	[smem:$0x3FB1] =	sst s10  }
0x32: {  	s10 =	sld [smem:$0x3FAF];
	_ =	sdelay $0x3  }
0x33: {  	p0 =	seq.s32 s10, $0x1;
	s10 =	sld [smem:$0x3FB1];
	_ =	sdelay $0x3  }
0x34: {  	[smem:$0x3FB1] =	sst s10  }
0x35: {  	s10 =	sld [smem:$0x3FB0];
	_ =	sdelay $0x3  }
0x36: {  	p1 =	seq.s32 s10, $0x1;
	s10 =	sld [smem:$0x3FB1];
	_ =	sdelay $0x3  }
0x37: {  	[smem:$0x3FB1] =	sst s10  }
0x38: {  	s10 =	sld [smem:$0x3FB2]  }
0x39: {  	_ = 	snop;
	(pc) =	sbr.ind lr, $3  }
0x3a: {  	_ = 	snop  }
0x3b: {  	_ = 	snop  }
0x3c: {  	p2 =	seq.s32 s10, $0x1;
	s10 =	sld [smem:$0x3FB1]  }
0x3d: {  	_ =	shalt  }
0x3e: {  	_ =	shalt  }
0x3f: {  	_ =	shalt  }
0x40: {  	_ =	shalt  }
0x41: {  	_ =	shalt  }
0x42: {  	_ =	shalt  }
0x43: {  	_ =	shalt  }
0x44: {  	_ =	shalt  }
0x45: {  	_ =	shalt  }
0x46: {  	_ =	shalt  }
0x47: {  	_ =	shalt  }
0x48: {  	_ =	shalt  }
0x49: {  	_ =	shalt  }
0x4a: {  	_ =	shalt  }
0x4b: {  	_ =	shalt  }
0x4c: {  	_ =	shalt  }
0x4d: {  	_ =	shalt  }
0x4e: {  	_ =	shalt  }
0x4f: {  	_ =	shalt  }
0x50: {  	_ =	shalt  }
0x51: {  	_ =	shalt  }
0x52: {  	_ =	shalt  }
0x53: {  	_ =	shalt  }
0x54: {  	_ =	shalt  }
0x55: {  	_ =	shalt  }
0x56: {  	_ =	shalt  }
0x57: {  	_ =	shalt  }
0x58: {  	_ =	shalt  }
0x59: {  	_ =	shalt  }
0x5a: {  	_ =	shalt  }
0x5b: {  	_ =	shalt  }
0x5c: {  	_ =	shalt  }
0x5d: {  	_ =	shalt  }
0x5e: {  	_ =	shalt  }
0x5f: {  	_ =	shalt  }
0x60: {  	_ =	shalt  }
0x61: {  	_ =	shalt  }
0x62: {  	_ =	shalt  }
0x63: {  	_ =	shalt  }
0x64: {  	_ =	shalt  }
0x65: {  	_ =	shalt  }
0x66: {  	_ =	shalt  }
0x67: {  	_ =	shalt  }
0x68: {  	_ =	shalt  }
0x69: {  	_ =	shalt  }
0x6a: {  	_ =	shalt  }
0x6b: {  	_ =	shalt  }
0x6c: {  	_ =	shalt  }
0x6d: {  	_ =	shalt  }
0x6e: {  	_ =	shalt  }
0x6f: {  	_ =	shalt  }
0x70: {  	_ =	shalt  }
0x71: {  	_ =	shalt  }
0x72: {  	_ =	shalt  }
0x73: {  	_ =	shalt  }
0x74: {  	_ =	shalt  }
0x75: {  	_ =	shalt  }
0x76: {  	_ =	shalt  }
0x77: {  	_ =	shalt  }
0x78: {  	_ =	shalt  }
0x79: {  	_ =	shalt  }
0x7a: {  	_ =	shalt  }
0x7b: {  	_ =	shalt  }
0x7c: {  	_ =	shalt  }
0x7d: {  	_ =	shalt  }
0x7e: {  	_ =	shalt  }
0x7f: {  	_ =	shalt  }
0x80: {  	_ =	shalt  }
0x81: {  	_ =	shalt  }
0x82: {  	_ =	shalt  }
0x83: {  	_ =	shalt  }
0x84: {  	_ =	shalt  }
0x85: {  	_ =	shalt  }
0x86: {  	_ =	shalt  }
0x87: {  	_ =	shalt  }
.Lfunc_end0:
.L_simem_size_0:
called_computation_lowered:
.L_overlay_start_0:
0x88: {  	s2 =	sld [smem:$0x3FD9]  }
0x89: {  	s3 =	sld [smem:$0x3FFE];
	_ =	sdelay $0x1  }
0x8a: {  	s1 =	srdreg.scid  }
0x8b: {  	s0 =	sand.u32 $0x1, s1  }
0x8c: {  	s17 =	sshll.u32 s0, $0xA;
	s2 =	sadd.s32 s3, s2  }
0x8d: {  	s2 =	sadd.s32 s2, s17  }
0x8e: {  	[smem:$0x3FBD] =	sst s2  }
0x8f: {  	_ = 	snop  }
0x90: {  	s2 =	sld [smem:$0x3FD0];
	(tm) =	ssettm $0x1  }
0x91: {  	s18 =	sld [smem:$0x3FFB];
	_ =	sdelay $0x3  }
0x92: {  	_ =	strace s18  }
0x93: {  	s3 =	sld [smem:$0x3FFC];
	_ =	sdelay $0x3  }
0x94: {  	_ =	strace s3  }
0x95: {  	s3 =	sld [smem:$0x3FFD];
	_ =	sdelay $0x3  }
0x96: {  	_ =	strace s3  }
0x97: {  	_ =	strace $0x8FFFFFFF  }
0x98: {  	s19 =	sld [smem:$0x3FDB];
	_ =	sdelay $0x1  }
0x99: {  	s4 =	simm.s32 $_scs_section_size  }
0x9a: {  	s5 =	simm.s32 $_size__tile_overlayer_lowered;
	s6 =	simm.s32 $_tile_overlayer_lowered  }
0x9b: {  	s22 =	simm.s32 $0x1BFF;
	s21 =	sshll.u32 s6, $0x1;
	s3 =	sadd.s32 s4, s19  }
0x9c: {  	s7 =	simm.s32 $0x0;
	s20 =	sshll.u32 s5, $0x1;
	s5 =	sadd.s32 s21, s3  }
0x9d: {  	[timem:s7], [sflag:s22] =	dma.local [hbm:s5], s20  }
0x9e: {  	_ =	swait.ge [sflag:s22], s20  }
0x9f: {  	s4 =	ssub.s32 $0x0, s20;
	[sflag:s22] =	ssyncset.done $0x0  }
0xa0: {  	[sflag:s22] =	ssyncadd.s32 s4;
	_ =	sdelay $0x1  }
0xa1: {  	s23 =	simm.s32 $0x1B8B  }
0xa2: {  	_ =	swait.ge [sflag:s23], $0x1  }
0xa3: {  	[sflag:s23] =	ssyncset.done $0x0  }
0xa4: {  	s25 =	simm.s32 $0x1B8E;
	s24 =	sld [smem:$0x3FFE];
	[sflag:s23] =	ssyncadd.s32 $0xFFFFFFFF  }
0xa5: {  	s26 =	simm.s32 $execute0_lowered;
	[smem:$0x3FD2] =	sst s25  }
0xa6: {  	s5 =	sshll.u32 s26, $0x1;
	_ =	strace $0x80000049;
	[dreg:$0x1] =	wrdreg $0xFFFFFFFF  }
0xa7: {  	s28 =	simm.s32 $_size_execute0_lowered;
	s3 =	sadd.s32 s3, s5;
	[dreg:$0x0] =	wrdreg $0x0  }
0xa8: {  	s5 =	sshll.u32 s28, $0x1;
	[dreg:$0x2] =	wrdreg s3  }
0xa9: {  	[dreg:$0x3] =	wrdreg s5  }
0xaa: {  	[dreg:$0x4] =	wrdreg $0xC0  }
0xab: {  	_ =	task [dreg:s7], $0x5FFFF  }
0xac: {  	[dreg:$0x1] =	wrdreg $0xFFFFFFFF  }
0xad: {  	[dreg:$0x0] =	wrdreg $0x60  }
0xae: {  	[dreg:$0x2] =	wrdreg s2  }
0xaf: {  	[dreg:$0x3] =	wrdreg s24  }
0xb0: {  	[dreg:$0x4] =	wrdreg $0x90000  }
0xb1: {  	[dreg:$0x5] =	wrdreg $0x9  }
0xb2: {  	_ =	task.clear_ibuf [dreg:s7], $0x6FFFF;
	_ =	strace $0x90000049  }
0xb3: {  	s29 =	simm.s32 $0x9;
	_ =	strace $0x8000004B  }
0xb4: {  	_ =	swait.ge [sflag:s29], $0x1  }
0xb5: {  	[sflag:s29] =	ssyncadd.s32 $0xFFFFFFFF  }
0xb6: {  	_ =	strace $0x9000004B  }
0xb7: {  	_ =	sfence  }
0xb8: {  	s30 =	sld [smem:$0x0];
	_ =	sdelay $0x2  }
0xb9: {  	s31 =	sshll.u32 s1, $0xD;
	s1 =	sshrl.u32 s1, $0x2  }
0xba: {  	s3 =	sand.u32 $0x4000, s31;
	s1 =	sadd.s32 s1, s30  }
0xbb: {  	s0 =	sor.u32 s3, s0;
	s1 =	sshll.u32 s1, $0x11  }
0xbc: {  	s0 =	sor.u32 s1, s0  }
0xbd: {  	s0 =	sadd.s32 $0x8F2B, s0  }
0xbe: {  	[sflag:s0] =	ssyncadd.remote.s32 $0x1  }
0xbf: {  	_ =	sfence.sel $0xFFFF  }
0xc0: {  	[dreg:$0x0] =	wrdreg $0xFFFFFFFF;
	(pc) =	sbr.abs _section_cstart, $3  }
0xc1: {  	[dreg:$0x1] =	wrdreg $0xFFFFFFFF  }
0xc2: {  	_ =	task.clear_ibuf [dreg:s7], $0x2FFFF;
	_ =	strace $0x9FFFFFFF  }
0xc3: {  	(tm) =	ssettm $0x7FFFFFFF  }
tec
execute0_lowered:
.L_overlay_start_1:
0x0: {  	(tag) =	ssettag $0x1  }
0x1: {  	s0 =	rddreg [dreg:$0x0]  }
0x2: {  	s1 =	srdreg.scid;
	s4 =	rddreg [dreg:$0x1]  }
0x3: {  	s18 =	stileid.u32;
	s2 =	rddreg [dreg:$0x2]  }
0x4: {  	s3 =	simm.s32 $0x0;
	s14 =	simm.s32 $0x5000;
	s15 =	simm.s32 $0x1  }
0x5: {  	s16 =	simm.s32 $0x2800;
	s17 =	simm.s32 $0x80;
	s7 =	smul.u32 $0x2800, s18  }
0x6: {  	s5 =	sand.u32 $0x1, s1;
	s1 =	rddreg [dreg:$0x3];
	s28 =	smul.u32 $0x14000, s18  }
0x7: {  	s20 =	simm.s32 $0x0;
	[smem:$0x7FF] =	sst s3;
	s9 =	smul.u32 $0x50000, s18  }
0x8: {  	p0 =	sne.s32 s18, $0x0;
	s18 =	sshll.u32 s18, $0x6;
	s6 =	smul.u32 $0x28000, s5  }
0x9: {  	s8 =	smul.u32 $0x140000, s5;
	_ =	strace $0x8000004A;
	s5 =	ssub.s32 $0x2, s5  }
0xa: {  	s18 =	sor.u32 $0x1C01, s18;
	s30 =	sshrl.u32 s5, $0x1;
	s6 =	sadd.s32 s7, s6  }
0xb: {  	s31 =	sshrl.u32 s9, $0x2;
	s29 =	sadd.s32 s28, s8;
	s6 =	sshrl.u32 s6, $0x3  }
0xc: {  	s13 =	ssub.s32 s5, s30;
	s11 =	sadd.s32 s6, s4;
	s6 =	sshrl.u32 s29, $0x3  }
0xd: {  	s9 =	sadd.s32 $0x140000, s2;
	s13 =	smax.u32 s13, $0x1;
	s12 =	sadd.s32 s6, s4  }
0xe: {  	s4 =	sadd.s32 s31, s2;
	s10 =	sadd.s32 $0xD400, s11;
	s11 =	sadd.s32 $0x3400, s11  }
0xf: {  	s5 =	sadd.s32 $0x4000, s4;
	s6 =	sadd.s32 $0x8000, s4;
	s7 =	sadd.s32 $0xC000, s4  }
0x10: {  	v0 =	vimm.f32 $0.0e+00;
	s8 =	sadd.s32 $0x10000, s4;
	s12 =	sadd.s32 $0x5D600, s12;
	s19 =	sshrl.u32 s4, $0x3  }
.LBB2_1:
0x11: {  	s21 =	sand.u32 $0xFE00, s3  }
0x12: {  	s22 =	sand.u32 $0x70, s3;
	s23 =	sshrl.u32 s21, $0x2  }
0x13: {  	s21 =	simm.s32 $0x40;
	s23 =	sor.u32 s22, s23;
	s22 =	simm.s32 $0x0  }
.LBB2_2:
0x14: {  	p1 =	sne.s32 s21, $0xFFC0  }
0x15: {  	[tilespmem:s23+$0x5000] =	vst v0;
	s22 =	sadd.s32 $0x10, s22;
	s23 =	smov.u32 s21;
	s21 =	sadd.s32 $0x40, s21  }
.Ltmp0:
0x16: {  	(pc) =	sbr.rel @p1 .LBB2_2-.Ltmp0, $4  }
0x17: {  	_ = 	snop  }
0x18: {  	s23 =	sand.u32 $0xFE00, s23  }
0x19: {  	s24 =	sand.u32 $0x70, s22;
	s23 =	sshrl.u32 s23, $0x2  }
0x1a: {  	s23 =	sor.u32 s24, s23  }
0x1b: {  	[tilespmem:s23+$0x5000] =	vst v0  }
0x1c: {  	[spmem:s4] =	stream.linear.scatter [tilespmem:s14], [sflag:$0x1], $0x4000, $0x38;
	[tilespmem:$0x1D040] =	vst v63  }
0x1d: {  	_ =	swait.ge [sflag:s15], $0x4000  }
0x1e: {  	[sflag:s15] =	ssyncset.done $0x0  }
0x1f: {  	[sflag:s15] =	ssyncadd.s32 $0xFFFFC000  }
0x20: {  	[spmem:s5] =	stream.linear.scatter [tilespmem:s14], [sflag:$0x1], $0x4000, $0x38;
	[tilespmem:$0x1D040] =	vst v63  }
0x21: {  	_ =	swait.ge [sflag:s15], $0x4000  }
0x22: {  	[sflag:s15] =	ssyncset.done $0x0  }
0x23: {  	[sflag:s15] =	ssyncadd.s32 $0xFFFFC000  }
0x24: {  	[spmem:s6] =	stream.linear.scatter [tilespmem:s14], [sflag:$0x1], $0x4000, $0x38;
	[tilespmem:$0x1D040] =	vst v63  }
0x25: {  	_ =	swait.ge [sflag:s15], $0x4000  }
0x26: {  	[sflag:s15] =	ssyncset.done $0x0  }
0x27: {  	[sflag:s15] =	ssyncadd.s32 $0xFFFFC000  }
0x28: {  	[spmem:s7] =	stream.linear.scatter [tilespmem:s14], [sflag:$0x1], $0x4000, $0x38;
	[tilespmem:$0x1D040] =	vst v63  }
0x29: {  	_ =	swait.ge [sflag:s15], $0x4000  }
0x2a: {  	[sflag:s15] =	ssyncset.done $0x0  }
0x2b: {  	[sflag:s15] =	ssyncadd.s32 $0xFFFFC000  }
0x2c: {  	[spmem:s8] =	stream.linear.scatter [tilespmem:s14], [sflag:$0x1], $0x4000, $0x38;
	[tilespmem:$0x1D040] =	vst v63  }
0x2d: {  	_ =	swait.ge [sflag:s15], $0x4000  }
0x2e: {  	[sflag:s15] =	ssyncset.done $0x0  }
0x2f: {  	s21 =	simm.s32 @!p0 $0x5000;
	[sflag:s15] =	ssyncadd.s32 $0xFFFFC000  }
0x30: {  	[spmem:s9] =	stream.linear.scatter @!p0 [tilespmem:s21], [sflag:$0x1], $0x400, $0x38;
	[tilespmem:$0x1D040] =	vst v63  }
0x31: {  	s21 =	simm.s32 @!p0 $0x1  }
0x32: {  	_ =	swait.ge @!p0 [sflag:s21], $0x400  }
0x33: {  	[sflag:s21] =	ssyncset.done @!p0 $0x0  }
0x34: {  	s29 =	simm.s32 $0x0;
	[sflag:s21] =	ssyncadd.s32 @!p0 $0xFFFFFC00  }
0x35: {  	[tilespmem:s29], [sflag:$0x1] =	stream.linear.gather [hbm4b:s10+s29], $0x2780, $0x38;
	[tilespmem:$0x1D040] =	vst v63  }
0x36: {  	_ =	swait.ge [sflag:s15], $0x2780  }
0x37: {  	[sflag:s15] =	ssyncset.done $0x0  }
0x38: {  	[sflag:s15] =	ssyncadd.s32 $0xFFFFD880  }
0x39: {  	[tilespmem:s16], [sflag:$0x1] =	stream.linear.gather [hbm4b:s11+s29], $0x2780, $0x38;
	[tilespmem:$0x1D040] =	vst v63  }
0x3a: {  	_ =	swait.ge [sflag:s15], $0x2780  }
0x3b: {  	[sflag:s15] =	ssyncset.done $0x0  }
0x3c: {  	[sflag:s15] =	ssyncadd.s32 $0xFFFFD880  }
0x3d: {  	s30 =	simm.s32 $0x0;
	[bflag:$0x0] =	sbarrier.arrive $0xFFFF  }
0x3e: {  	[tilespmem:s14], [sflag:$0x1] =	stream.indirect.gather [hbm4b:s0+s17], $0x80, s30, s17, $0xb8;
	[tilespmem:$0x1D040] =	vst v63  }
0x3f: {  	_ =	swait.ge [sflag:s15], $0x4000  }
0x40: {  	[sflag:s15] =	ssyncset.done $0x0  }
0x41: {  	s31 =	simm.s32 $0x2800;
	[sflag:s15] =	ssyncadd.s32 $0xFFFFC000  }
0x42: {  	[spmem:s2] =	stream.indirect.scatter.add.f32 [tilespmem:s14], [sflag:$0x1], $0x80, s31, s17, $0xb8;
	[tilespmem:$0x1D040] =	vst v63  }
0x43: {  	_ =	swait.ge [sflag:s15], $0x4000  }
0x44: {  	s22 =	simm.s32 $0x400;
	s21 =	simm.s32 $0x200;
	[sflag:s15] =	ssyncset.done $0x0  }
.LBB2_4:
0x45: {  	s23 =	sshra.s32 s21, $0x2  }
0x46: {  	[sflag:s15] =	ssyncadd.s32 $0xFFFFC000;
	s21 =	smov.u32 s22;
	s24 =	sadd.s32 $0x200, s22  }
0x47: {  	[tilespmem:s14], [sflag:$0x1] =	stream.indirect.gather [hbm4b:s0+s17], $0x80, s23, s17, $0xb8;
	[tilespmem:$0x1D040] =	vst v63  }
0x48: {  	p1 =	sne.s32 s22, $0x9C00;
	_ =	swait.ge [sflag:s15], $0x4000  }
.Ltmp1:
0x49: {  	[sflag:s15] =	ssyncset.done $0x0;
	(pc) =	sbr.rel @p1 .LBB2_4-.Ltmp1, $4  }
0x4a: {  	s22 =	sadd.s32 $0x2800, s23;
	[sflag:s15] =	ssyncadd.s32 $0xFFFFC000  }
0x4b: {  	[spmem:s2] =	stream.indirect.scatter.add.f32 [tilespmem:s14], [sflag:$0x1], $0x80, s22, s17, $0xb8;
	[tilespmem:$0x1D040] =	vst v63  }
0x4c: {  	_ =	swait.ge [sflag:s15], $0x4000  }
0x4d: {  	s22 =	smov.u32 s24;
	[sflag:s15] =	ssyncset.done $0x0  }
0x4e: {  	s21 =	sshra.s32 s21, $0x2;
	[sflag:s15] =	ssyncadd.s32 $0xFFFFC000  }
0x4f: {  	[tilespmem:s14], [sflag:$0x1] =	stream.indirect.gather [hbm4b:s0+s17], $0x80, s21, s17, $0xb8;
	[tilespmem:$0x1D040] =	vst v63  }
0x50: {  	_ =	swait.ge [sflag:s15], $0x4000  }
0x51: {  	[sflag:s15] =	ssyncset.done $0x0  }
0x52: {  	s21 =	sadd.s32 $0x2800, s21;
	[sflag:s15] =	ssyncadd.s32 $0xFFFFC000  }
0x53: {  	[spmem:s2] =	stream.indirect.scatter.add.f32 [tilespmem:s14], [sflag:$0x1], $0x80, s21, s17, $0xb8;
	[tilespmem:$0x1D040] =	vst v63  }
0x54: {  	_ =	swait.ge [sflag:s15], $0x4000  }
0x55: {  	s20 =	sadd.s32 $0x1, s20;
	[sflag:s15] =	ssyncset.done $0x0  }
0x56: {  	p1 =	sne.s32 s20, s13;
	[sflag:s15] =	ssyncadd.s32 $0xFFFFC000  }
.Ltmp2:
0x57: {  	[bflag:$0x0] =	sbarrier.arrive $0xFFFF;
	(pc) =	sbr.rel @p1 .LBB2_1-.Ltmp2, $4  }
0x58: {  	[hbm:s12], [sflag:s18] =	dma.local [spmem:s19], $0x2800  }
0x59: {  	_ =	swait.ge [sflag:s15], $0x2800  }
0x5a: {  	[sflag:s15] =	ssyncset.done $0x0  }
0x5b: {  	[sflag:s15] =	ssyncadd.s32 $0xFFFFD800  }
0x5c: {  	_ =	sfence.sel $0x180000  }
0x5d: {  	[bflag:$0x0] =	sbarrier.arrive $0xFFFF  }
0x5e: {  	_ =	strace $0x9000004A  }
0x5f: {  	s0 =	sadd.s32 @!p0 $0x100000, s1;
	[bflag:$0x2] =	sbarrier.arrive $0xFFFF  }
0x60: {  	[sflag:s0] =	ssyncadd.tile.s32 @!p0 $0x1;
	_ =	shalt  }
.Lfunc_end2:
_tile_overlayer_lowered:
.L_overlay_start_2:
0x61: {  	(tag) =	ssettag $0x2  }
0x62: {  	s0 =	rddreg [dreg:$0x0];
	s2 =	stileid.u32  }
0x63: {  	s1 =	rddreg [dreg:$0x1];
	p0 =	sne.s32 s2, $0x0  }
0x64: {  	s3 =	rddreg [dreg:$0x2];
	[bflag:$0x3] =	sbarrier.arrive $0xFFFF;
	s2 =	simm.s32 @!p0 $0x1C01  }
0x65: {  	[timem:s3], [sflag:s2] =	dma.local @!p0 [hbm:s0], s1  }
0x66: {  	s0 =	simm.s32 @!p0 $0x1  }
0x67: {  	_ =	swait.ge @!p0 [sflag:s0], s1  }
0x68: {  	s1 =	ssub.s32 @!p0 $0x0, s1;
	[sflag:s0] =	ssyncset.done @!p0 $0x0  }
0x69: {  	[sflag:s0] =	ssyncadd.s32 @!p0 s1  }
0x6a: {  	[bflag:$0x3] =	sbarrier.arrive $0xFFFF  }
0x6b: {  	_ =	shalt  }

// kernel: kernel.3.cloned.1.call-start
scs
__scs_entry_jumppad:
0x0: {  	(pc) =	sbr.rel $0x88, $3  }
0x1: {  	(tag) =	ssettag $0x0;
	lr =	simm.s32 $0x1  }
0x2: {  	[smem:$0x3F96] =	sst lr;
	_ =	strace $0xD0000000  }
0x3: {  	_ = 	snop  }
0x4: {  	_ = 	snop  }
0x5: {  	_ = 	snop  }
0x6: {  	_ = 	snop  }
0x7: {  	_ = 	snop  }
__scs_overlays_trampoline_lowered:
0x8: {  	[smem:$0x3FA5] =	sst s0  }
0x9: {  	[smem:$0x3FA6] =	sst s1  }
0xa: {  	[smem:$0x3FA7] =	sst s2  }
0xb: {  	[smem:$0x3FA8] =	sst s3  }
0xc: {  	[smem:$0x3FA9] =	sst s4  }
0xd: {  	[smem:$0x3FAA] =	sst s5  }
0xe: {  	[smem:$0x3FAB] =	sst s6  }
0xf: {  	[smem:$0x3FAC] =	sst s7  }
0x10: {  	[smem:$0x3FAD] =	sst s8  }
0x11: {  	[smem:$0x3FAE] =	sst s9;
	s0 =	simm.s32 @!p0 $0x0  }
0x12: {  	s1 =	sld [smem:$0x3F94];
	s0 =	simm.s32 @p0 $0x1  }
0x13: {  	[smem:$0x3FAF] =	sst s0;
	s0 =	simm.s32 @!p1 $0x0  }
0x14: {  	s2 =	sld [smem:$0x3F93];
	s0 =	simm.s32 @p1 $0x1  }
0x15: {  	[smem:$0x3FB0] =	sst s0;
	s0 =	simm.s32 @!p2 $0x0  }
0x16: {  	s3 =	sld [smem:$0x3FDB];
	s0 =	simm.s32 @p2 $0x1  }
0x17: {  	s4 =	simm.s32 $0x1BF5;
	[smem:$0x3FB2] =	sst s0  }
0x18: {  	s0 =	sld [smem:$0x3F95];
	_ =	swait.ge [sflag:s4], $0x0  }
0x19: {  	s7 =	sld [smem:$0x3F96]  }
0x1a: {  	s8 =	sadd.s32 $0xFFFFE003, lr  }
0x1b: {  	s9 =	sadd.s32 $0xFFFFFEF7, lr;
	s5 =	simm.s32 $0xFFFFFFFF;
	p2 =	slt.u32 s8, $0xFFFFF086  }
0x1c: {  	p1 =	slt.u32 s9, $0xF7A;
	s5 =	simm.s32 @!p2 $0x0  }
0x1d: {  	s5 =	simm.s32 @p1 $0x1;
	p0 =	seq.s32 s7, s2  }
0x1e: {  	s7 =	smul.u32 @!p0 $0xF7A, s2;
	p2 =	seq.s32 @!p0 s5, $0x0  }
0x1f: {  	s9 =	smul.u32 $0xF7A, s1;
	s8 =	simm.s32 @!p0 $0x1BF5;
	p2 =	por !p2, p0  }
0x20: {  	[sflag:s8] =	ssyncset.s32 @!p0 $0xFFFFF086;
	s6 =	sadd.s32 @!p0 s3, s7;
	s7 =	simm.s32 @!p0 $0x108  }
0x21: {  	s3 =	sadd.s32 s3, s9;
	s6 =	sadd.s32 @!p0 $0x88, s6;
	s7 =	simm.s32 @p2 $0x1082  }
0x22: {  	[simem:s7], [sflag:s8] =	dma.local @!p0 [hbm:s6], $0xF7A  }
0x23: {  	s9 =	sor.u32 $0xD0000000, s2;
	s6 =	simm.s32 $0x108;
	_ =	swait.ge @!p0 [sflag:s8], $0x0  }
0x24: {  	s3 =	sadd.s32 $0x88, s3;
	s6 =	simm.s32 @!p1 $0x1082;
	[sflag:s4] =	ssyncset.s32 $0xFFFFF086  }
0x25: {  	[simem:s6], [sflag:s4] =	dma.local [hbm:s3], $0xF7A  }
0x26: {  	[smem:$0x3F96] =	sst s1;
	(tag) =	ssettag s2;
	_ =	strace s9  }
0x27: {  	s1 =	sld [smem:$0x3FA6]  }
0x28: {  	s2 =	sld [smem:$0x3FA7]  }
0x29: {  	s4 =	sld [smem:$0x3FA9]  }
0x2a: {  	p0 =	seq.s32 s5, $0x0;
	s5 =	sld [smem:$0x3FAA]  }
0x2b: {  	s6 =	sld [smem:$0x3FAB]  }
0x2c: {  	s7 =	sld [smem:$0x3FAC]  }
0x2d: {  	s3 =	simm.s32 $0x108;
	s8 =	sld [smem:$0x3FAD]  }
0x2e: {  	s3 =	simm.s32 @!p0 $0x1082;
	s9 =	sld [smem:$0x3FAE]  }
0x2f: {  	lr =	sadd.s32 s0, s3;
	s0 =	sld [smem:$0x3FA5]  }
0x30: {  	s3 =	sld [smem:$0x3FA8]  }
0x31: {  	[smem:$0x3FB1] =	sst s10  }
0x32: {  	s10 =	sld [smem:$0x3FAF];
	_ =	sdelay $0x3  }
0x33: {  	p0 =	seq.s32 s10, $0x1;
	s10 =	sld [smem:$0x3FB1];
	_ =	sdelay $0x3  }
0x34: {  	[smem:$0x3FB1] =	sst s10  }
0x35: {  	s10 =	sld [smem:$0x3FB0];
	_ =	sdelay $0x3  }
0x36: {  	p1 =	seq.s32 s10, $0x1;
	s10 =	sld [smem:$0x3FB1];
	_ =	sdelay $0x3  }
0x37: {  	[smem:$0x3FB1] =	sst s10  }
0x38: {  	s10 =	sld [smem:$0x3FB2]  }
0x39: {  	_ = 	snop;
	(pc) =	sbr.ind lr, $3  }
0x3a: {  	_ = 	snop  }
0x3b: {  	_ = 	snop  }
0x3c: {  	p2 =	seq.s32 s10, $0x1;
	s10 =	sld [smem:$0x3FB1]  }
0x3d: {  	_ =	shalt  }
0x3e: {  	_ =	shalt  }
0x3f: {  	_ =	shalt  }
0x40: {  	_ =	shalt  }
0x41: {  	_ =	shalt  }
0x42: {  	_ =	shalt  }
0x43: {  	_ =	shalt  }
0x44: {  	_ =	shalt  }
0x45: {  	_ =	shalt  }
0x46: {  	_ =	shalt  }
0x47: {  	_ =	shalt  }
0x48: {  	_ =	shalt  }
0x49: {  	_ =	shalt  }
0x4a: {  	_ =	shalt  }
0x4b: {  	_ =	shalt  }
0x4c: {  	_ =	shalt  }
0x4d: {  	_ =	shalt  }
0x4e: {  	_ =	shalt  }
0x4f: {  	_ =	shalt  }
0x50: {  	_ =	shalt  }
0x51: {  	_ =	shalt  }
0x52: {  	_ =	shalt  }
0x53: {  	_ =	shalt  }
0x54: {  	_ =	shalt  }
0x55: {  	_ =	shalt  }
0x56: {  	_ =	shalt  }
0x57: {  	_ =	shalt  }
0x58: {  	_ =	shalt  }
0x59: {  	_ =	shalt  }
0x5a: {  	_ =	shalt  }
0x5b: {  	_ =	shalt  }
0x5c: {  	_ =	shalt  }
0x5d: {  	_ =	shalt  }
0x5e: {  	_ =	shalt  }
0x5f: {  	_ =	shalt  }
0x60: {  	_ =	shalt  }
0x61: {  	_ =	shalt  }
0x62: {  	_ =	shalt  }
0x63: {  	_ =	shalt  }
0x64: {  	_ =	shalt  }
0x65: {  	_ =	shalt  }
0x66: {  	_ =	shalt  }
0x67: {  	_ =	shalt  }
0x68: {  	_ =	shalt  }
0x69: {  	_ =	shalt  }
0x6a: {  	_ =	shalt  }
0x6b: {  	_ =	shalt  }
0x6c: {  	_ =	shalt  }
0x6d: {  	_ =	shalt  }
0x6e: {  	_ =	shalt  }
0x6f: {  	_ =	shalt  }
0x70: {  	_ =	shalt  }
0x71: {  	_ =	shalt  }
0x72: {  	_ =	shalt  }
0x73: {  	_ =	shalt  }
0x74: {  	_ =	shalt  }
0x75: {  	_ =	shalt  }
0x76: {  	_ =	shalt  }
0x77: {  	_ =	shalt  }
0x78: {  	_ =	shalt  }
0x79: {  	_ =	shalt  }
0x7a: {  	_ =	shalt  }
0x7b: {  	_ =	shalt  }
0x7c: {  	_ =	shalt  }
0x7d: {  	_ =	shalt  }
0x7e: {  	_ =	shalt  }
0x7f: {  	_ =	shalt  }
0x80: {  	_ =	shalt  }
0x81: {  	_ =	shalt  }
0x82: {  	_ =	shalt  }
0x83: {  	_ =	shalt  }
0x84: {  	_ =	shalt  }
0x85: {  	_ =	shalt  }
0x86: {  	_ =	shalt  }
0x87: {  	_ =	shalt  }
.Lfunc_end0:
.L_simem_size_0:
called_computation.1_lowered:
.L_overlay_start_0:
0x88: {  	s2 =	sld [smem:$0x3FD9]  }
0x89: {  	s3 =	sld [smem:$0x3FFE];
	_ =	sdelay $0x1  }
0x8a: {  	s1 =	srdreg.scid  }
0x8b: {  	s0 =	sand.u32 $0x1, s1  }
0x8c: {  	s16 =	sshll.u32 s0, $0xA;
	s2 =	sadd.s32 s3, s2  }
0x8d: {  	s2 =	sadd.s32 s2, s16  }
0x8e: {  	[smem:$0x3FBD] =	sst s2  }
0x8f: {  	_ = 	snop  }
0x90: {  	(tm) =	ssettm $0x1  }
0x91: {  	s17 =	sld [smem:$0x3FFB];
	_ =	sdelay $0x3  }
0x92: {  	_ =	strace s17  }
0x93: {  	s2 =	sld [smem:$0x3FFC];
	_ =	sdelay $0x3  }
0x94: {  	_ =	strace s2  }
0x95: {  	s2 =	sld [smem:$0x3FFD];
	_ =	sdelay $0x3  }
0x96: {  	_ =	strace s2  }
0x97: {  	_ =	strace $0x8FFFFFFF  }
0x98: {  	s18 =	sld [smem:$0x3FDB];
	_ =	sdelay $0x1  }
0x99: {  	s19 =	simm.s32 $_scs_section_size  }
0x9a: {  	s4 =	simm.s32 $_size__tile_overlayer_lowered;
	s5 =	simm.s32 $_tile_overlayer_lowered  }
0x9b: {  	s22 =	simm.s32 $0x1BFF;
	s21 =	sshll.u32 s5, $0x1;
	s2 =	sadd.s32 s19, s18  }
0x9c: {  	s6 =	simm.s32 $0x0;
	s20 =	sshll.u32 s4, $0x1;
	s4 =	sadd.s32 s21, s2  }
0x9d: {  	[timem:s6], [sflag:s22] =	dma.local [hbm:s4], s20  }
0x9e: {  	_ =	swait.ge [sflag:s22], s20  }
0x9f: {  	s3 =	ssub.s32 $0x0, s20;
	[sflag:s22] =	ssyncset.done $0x0  }
0xa0: {  	[sflag:s22] =	ssyncadd.s32 s3;
	_ =	sdelay $0x1  }
0xa1: {  	s23 =	simm.s32 $0x1B8B  }
0xa2: {  	_ =	swait.ge [sflag:s23], $0x1  }
0xa3: {  	[sflag:s23] =	ssyncset.done $0x0  }
0xa4: {  	s25 =	simm.s32 $0x1B8E;
	s24 =	sld [smem:$0x3FFE];
	[sflag:s23] =	ssyncadd.s32 $0xFFFFFFFF  }
0xa5: {  	s26 =	simm.s32 $execute0_lowered;
	[smem:$0x3FD2] =	sst s25  }
0xa6: {  	s4 =	sshll.u32 s26, $0x1;
	_ =	strace $0x80000046;
	[dreg:$0x1] =	wrdreg $0xFFFFFFFF  }
0xa7: {  	s28 =	simm.s32 $_size_execute0_lowered;
	s2 =	sadd.s32 s2, s4;
	[dreg:$0x0] =	wrdreg $0x0  }
0xa8: {  	s4 =	sshll.u32 s28, $0x1;
	[dreg:$0x2] =	wrdreg s2  }
0xa9: {  	[dreg:$0x3] =	wrdreg s4  }
0xaa: {  	[dreg:$0x4] =	wrdreg $0xC0  }
0xab: {  	_ =	task [dreg:s6], $0x5FFFF  }
0xac: {  	[dreg:$0x1] =	wrdreg $0xFFFFFFFF  }
0xad: {  	[dreg:$0x0] =	wrdreg $0x60  }
0xae: {  	[dreg:$0x2] =	wrdreg s24  }
0xaf: {  	[dreg:$0x3] =	wrdreg $0x68000  }
0xb0: {  	[dreg:$0x4] =	wrdreg $0x9  }
0xb1: {  	_ =	task.clear_ibuf [dreg:s6], $0x5FFFF;
	_ =	strace $0x90000046  }
0xb2: {  	s29 =	simm.s32 $0x9;
	_ =	strace $0x80000048  }
0xb3: {  	_ =	swait.ge [sflag:s29], $0x1  }
0xb4: {  	[sflag:s29] =	ssyncadd.s32 $0xFFFFFFFF  }
0xb5: {  	_ =	strace $0x90000048  }
0xb6: {  	_ =	sfence  }
0xb7: {  	s30 =	sld [smem:$0x0];
	_ =	sdelay $0x2  }
0xb8: {  	s31 =	sshll.u32 s1, $0xD;
	s1 =	sshrl.u32 s1, $0x2  }
0xb9: {  	s3 =	sand.u32 $0x4000, s31;
	s1 =	sadd.s32 s1, s30  }
0xba: {  	s0 =	sor.u32 s3, s0;
	s1 =	sshll.u32 s1, $0x11  }
0xbb: {  	s0 =	sor.u32 s1, s0  }
0xbc: {  	s0 =	sadd.s32 $0x8F2B, s0  }
0xbd: {  	[sflag:s0] =	ssyncadd.remote.s32 $0x1  }
0xbe: {  	_ =	sfence.sel $0xFFFF  }
0xbf: {  	[dreg:$0x0] =	wrdreg $0xFFFFFFFF;
	(pc) =	sbr.abs _section_cstart, $3  }
0xc0: {  	[dreg:$0x1] =	wrdreg $0xFFFFFFFF  }
0xc1: {  	_ =	task.clear_ibuf [dreg:s6], $0x2FFFF;
	_ =	strace $0x9FFFFFFF  }
0xc2: {  	(tm) =	ssettm $0x7FFFFFFF  }
0xc3: {  	_ =	shalt  }
tec
execute0_lowered:
.L_overlay_start_1:
0x0: {  	(tag) =	ssettag $0x1  }
0x1: {  	s0 =	srdreg.scid;
	s4 =	rddreg [dreg:$0x0]  }
0x2: {  	s15 =	stileid.u32;
	s1 =	rddreg [dreg:$0x1];
	s2 =	simm.s32 $0x0  }
0x3: {  	s12 =	simm.s32 $0x2800;
	s13 =	simm.s32 $0x1;
	s6 =	smul.u32 $0x2800, s15  }
0x4: {  	s14 =	simm.s32 $0x80;
	s17 =	simm.s32 $0x0;
	s26 =	smul.u32 $0x14000, s15  }
0x5: {  	s3 =	sand.u32 $0x1, s0;
	s0 =	rddreg [dreg:$0x2];
	s8 =	smul.u32 $0x50000, s15  }
0x6: {  	[smem:$0x7FF] =	sst s2;
	p0 =	sne.s32 s15, $0x0;
	s5 =	smul.u32 $0x28000, s3  }
0x7: {  	s15 =	sshll.u32 s15, $0x6;
	s7 =	smul.u32 $0x140000, s3;
	_ =	strace $0x80000047  }
0x8: {  	s29 =	ssub.s32 $0x2, s3;
	s15 =	sor.u32 $0x1C01, s15;
	s30 =	sshrl.u32 s8, $0x2  }
0x9: {  	s31 =	sshrl.u32 s29, $0x1;
	s8 =	sadd.s32 $0x140000, s1;
	s5 =	sadd.s32 s6, s5  }
0xa: {  	s28 =	sadd.s32 s26, s7;
	s3 =	sadd.s32 s30, s1;
	s11 =	ssub.s32 s29, s31  }
0xb: {  	s5 =	sshrl.u32 s5, $0x3;
	s6 =	sadd.s32 $0xC000, s3;
	s7 =	sadd.s32 $0x10000, s3  }
0xc: {  	s11 =	smax.u32 s11, $0x1;
	s9 =	sadd.s32 s5, s4;
	s5 =	sshrl.u32 s28, $0x3  }
0xd: {  	s16 =	sshrl.u32 s3, $0x3;
	s10 =	sadd.s32 s5, s4;
	s4 =	sadd.s32 $0x4000, s3  }
0xe: {  	v0 =	vimm.f32 $0.0e+00;
	v1 =	vimm.f32 $1.000000000e+00;
	s5 =	sadd.s32 $0x8000, s3;
	s9 =	sadd.s32 $0x3400, s9;
	s10 =	sadd.s32 $0xD400, s10  }
.LBB2_1:
0xf: {  	s18 =	sand.u32 $0xFE00, s2  }
0x10: {  	s19 =	sand.u32 $0x70, s2;
	s20 =	sshrl.u32 s18, $0x2  }
0x11: {  	s18 =	simm.s32 $0x40;
	s20 =	sor.u32 s19, s20;
	s19 =	simm.s32 $0x0  }
.LBB2_2:
0x12: {  	p1 =	sne.s32 s18, $0xFFC0  }
0x13: {  	[tilespmem:s20+$0x2800] =	vst v0;
	s19 =	sadd.s32 $0x10, s19;
	s20 =	smov.u32 s18;
	s18 =	sadd.s32 $0x40, s18  }
.Ltmp0:
0x14: {  	(pc) =	sbr.rel @p1 .LBB2_2-.Ltmp0, $4  }
0x15: {  	_ = 	snop  }
0x16: {  	s20 =	sand.u32 $0xFE00, s20  }
0x17: {  	s21 =	sand.u32 $0x70, s19;
	s20 =	sshrl.u32 s20, $0x2  }
0x18: {  	s20 =	sor.u32 s21, s20  }
0x19: {  	[tilespmem:s20+$0x2800] =	vst v0  }
0x1a: {  	[spmem:s3] =	stream.linear.scatter [tilespmem:s12], [sflag:$0x1], $0x4000, $0x38;
	[tilespmem:$0x1A840] =	vst v63  }
0x1b: {  	_ =	swait.ge [sflag:s13], $0x4000  }
0x1c: {  	[sflag:s13] =	ssyncset.done $0x0  }
0x1d: {  	[sflag:s13] =	ssyncadd.s32 $0xFFFFC000  }
0x1e: {  	[spmem:s4] =	stream.linear.scatter [tilespmem:s12], [sflag:$0x1], $0x4000, $0x38;
	[tilespmem:$0x1A840] =	vst v63  }
0x1f: {  	_ =	swait.ge [sflag:s13], $0x4000  }
0x20: {  	[sflag:s13] =	ssyncset.done $0x0  }
0x21: {  	[sflag:s13] =	ssyncadd.s32 $0xFFFFC000  }
0x22: {  	[spmem:s5] =	stream.linear.scatter [tilespmem:s12], [sflag:$0x1], $0x4000, $0x38;
	[tilespmem:$0x1A840] =	vst v63  }
0x23: {  	_ =	swait.ge [sflag:s13], $0x4000  }
0x24: {  	[sflag:s13] =	ssyncset.done $0x0  }
0x25: {  	[sflag:s13] =	ssyncadd.s32 $0xFFFFC000  }
0x26: {  	[spmem:s6] =	stream.linear.scatter [tilespmem:s12], [sflag:$0x1], $0x4000, $0x38;
	[tilespmem:$0x1A840] =	vst v63  }
0x27: {  	_ =	swait.ge [sflag:s13], $0x4000  }
0x28: {  	[sflag:s13] =	ssyncset.done $0x0  }
0x29: {  	[sflag:s13] =	ssyncadd.s32 $0xFFFFC000  }
0x2a: {  	[spmem:s7] =	stream.linear.scatter [tilespmem:s12], [sflag:$0x1], $0x4000, $0x38;
	[tilespmem:$0x1A840] =	vst v63  }
0x2b: {  	_ =	swait.ge [sflag:s13], $0x4000  }
0x2c: {  	[sflag:s13] =	ssyncset.done $0x0  }
0x2d: {  	s18 =	simm.s32 @!p0 $0x2800;
	[sflag:s13] =	ssyncadd.s32 $0xFFFFC000  }
0x2e: {  	[spmem:s8] =	stream.linear.scatter @!p0 [tilespmem:s18], [sflag:$0x1], $0x400, $0x38;
	[tilespmem:$0x1A840] =	vst v63  }
0x2f: {  	s19 =	simm.s32 @!p0 $0x1;
	s18 =	simm.s32 $0x0  }
0x30: {  	_ =	swait.ge @!p0 [sflag:s19], $0x400;
	s31 =	sand.u32 $0xFE00, s18  }
0x31: {  	s21 =	sand.u32 $0x70, s18;
	[sflag:s19] =	ssyncset.done @!p0 $0x0;
	s20 =	sshrl.u32 s31, $0x2  }
0x32: {  	[sflag:s19] =	ssyncadd.s32 @!p0 $0xFFFFFC00;
	s19 =	simm.s32 $0x40;
	s20 =	sor.u32 s21, s20  }
.LBB2_4:
0x33: {  	p1 =	sne.s32 s19, $0xFFC0  }
0x34: {  	[tilespmem:s20+$0x2800] =	vst v1;
	s18 =	sadd.s32 $0x10, s18;
	s20 =	smov.u32 s19;
	s19 =	sadd.s32 $0x40, s19  }
.Ltmp1:
0x35: {  	(pc) =	sbr.rel @p1 .LBB2_4-.Ltmp1, $4  }
0x36: {  	_ = 	snop  }
0x37: {  	s20 =	sand.u32 $0xFE00, s20  }
0x38: {  	s21 =	sand.u32 $0x70, s18;
	s20 =	sshrl.u32 s20, $0x2  }
0x39: {  	s20 =	sor.u32 s21, s20  }
0x3a: {  	[tilespmem:s20+$0x2800] =	vst v1;
	s18 =	simm.s32 $0x0  }
0x3b: {  	[tilespmem:s18], [sflag:$0x1] =	stream.linear.gather [hbm4b:s9+s18], $0x2780, $0x38;
	[tilespmem:$0x1A840] =	vst v63  }
0x3c: {  	_ =	swait.ge [sflag:s13], $0x2780  }
0x3d: {  	[sflag:s13] =	ssyncset.done $0x0  }
0x3e: {  	[sflag:s13] =	ssyncadd.s32 $0xFFFFD880  }
0x3f: {  	s31 =	simm.s32 $0x0;
	[bflag:$0x0] =	sbarrier.arrive $0xFFFF  }
0x40: {  	[spmem:s1] =	stream.indirect.scatter.add.f32 [tilespmem:s12], [sflag:$0x1], $0x80, s31, s14, $0xb8;
	[tilespmem:$0x1A840] =	vst v63  }
0x41: {  	_ =	swait.ge [sflag:s13], $0x4000  }
0x42: {  	s18 =	simm.s32 $0x200;
	[sflag:s13] =	ssyncset.done $0x0  }
.LBB2_6:
0x43: {  	s19 =	sshra.s32 s18, $0x2;
	[sflag:s13] =	ssyncadd.s32 $0xFFFFC000;
	p1 =	sne.s32 s18, $0x9C00  }
0x44: {  	[spmem:s1] =	stream.indirect.scatter.add.f32 [tilespmem:s12], [sflag:$0x1], $0x80, s19, s14, $0xb8;
	[tilespmem:$0x1A840] =	vst v63  }
.Ltmp2:
0x45: {  	_ = 	snop;
	(pc) =	sbr.rel @p1 .LBB2_6-.Ltmp2, $4  }
0x46: {  	_ = 	snop  }
0x47: {  	s18 =	sadd.s32 $0x200, s18  }
0x48: {  	_ =	swait.ge [sflag:s13], $0x4000  }
0x49: {  	[sflag:s13] =	ssyncset.done $0x0  }
0x4a: {  	s17 =	sadd.s32 $0x1, s17  }
0x4b: {  	[sflag:s13] =	ssyncadd.s32 $0xFFFFC000;
	p1 =	sne.s32 s17, s11  }
.Ltmp3:
0x4c: {  	[bflag:$0x0] =	sbarrier.arrive $0xFFFF;
	(pc) =	sbr.rel @p1 .LBB2_1-.Ltmp3, $4  }
0x4d: {  	[hbm:s10], [sflag:s15] =	dma.local [spmem:s16], $0x2800  }
0x4e: {  	_ =	swait.ge [sflag:s13], $0x2800  }
0x4f: {  	[sflag:s13] =	ssyncset.done $0x0  }
0x50: {  	[sflag:s13] =	ssyncadd.s32 $0xFFFFD800  }
0x51: {  	_ =	sfence.sel $0x180000  }
0x52: {  	[bflag:$0x0] =	sbarrier.arrive $0xFFFF  }
0x53: {  	_ =	strace $0x90000047  }
0x54: {  	s0 =	sadd.s32 @!p0 $0x100000, s0;
	[bflag:$0x2] =	sbarrier.arrive $0xFFFF  }
0x55: {  	[sflag:s0] =	ssyncadd.tile.s32 @!p0 $0x1;
	_ =	shalt  }
.Lfunc_end2:
_tile_overlayer_lowered:
.L_overlay_start_2:
0x56: {  	(tag) =	ssettag $0x2  }
0x57: {  	s0 =	rddreg [dreg:$0x0];
	s2 =	stileid.u32  }
0x58: {  	s1 =	rddreg [dreg:$0x1];
	p0 =	sne.s32 s2, $0x0  }
0x59: {  	s3 =	rddreg [dreg:$0x2];
	[bflag:$0x3] =	sbarrier.arrive $0xFFFF;
	s2 =	simm.s32 @!p0 $0x1C01  }
0x5a: {  	[timem:s3], [sflag:s2] =	dma.local @!p0 [hbm:s0], s1  }
0x5b: {  	s0 =	simm.s32 @!p0 $0x1  }
0x5c: {  	_ =	swait.ge @!p0 [sflag:s0], s1  }
0x5d: {  	s1 =	ssub.s32 @!p0 $0x0, s1;
	[sflag:s0] =	ssyncset.done @!p0 $0x0  }
0x5e: {  	[sflag:s0] =	ssyncadd.s32 @!p0 s1  }
0x5f: {  	[bflag:$0x3] =	sbarrier.arrive $0xFFFF  }
0x60: {  	_ =	shalt  }

</sc_bundles>
